<compile_context>
chip_gen: v7x
topology: tpu7x:2x2x1
jax: 0.10.2.dev20260603
libtpu: 0.0.44.dev20260713+nightly
codegen_flags: <defaults>
</compile_context>

<pallas_src>
import functools

import jax
import jax.numpy as jnp
from jax import lax
from jax.experimental import pallas as pl
from jax.experimental.pallas import tpu as pltpu
from jax.experimental.pallas import tpu_sc as plsc

N = 10000
E = 320000
D_IN = 128
D_HID = 128
D_OUT = 16

NC, NS = 2, 16
NW = NC * NS
EPW = E // NW
CH = 128
NCHUNK = 80
EPAD = NCHUNK * CH
NPAD = 10240
RPW = NPAD // NS

_MESH = plsc.VectorSubcoreMesh(core_axis_name="c", subcore_axis_name="s")


def _sc_degrees(idx_all):

    @functools.partial(
        pl.kernel,
        out_type=jax.ShapeDtypeStruct((2, 2, NPAD), jnp.float32),
        mesh=_MESH,
        scratch_types=[
            pltpu.VMEM((NCHUNK, CH), jnp.int32),
            pltpu.VMEM((NCHUNK, CH), jnp.int32),
            pltpu.VMEM((CH,), jnp.float32),
            pltpu.VMEM((RPW,), jnp.float32),
            pltpu.VMEM_SHARED((NPAD,), jnp.float32),
            pltpu.VMEM_SHARED((NPAD,), jnp.float32),
        ],
    )
    def k(idx_hbm, out_hbm, src_v, dst_v, ones_v, zer_v, dsrc_sh, ddst_sh):
        c = lax.axis_index("c")
        s = lax.axis_index("s")
        wid = c * NS + s

        @pl.loop(0, CH // 16)
        def _(i):
            ones_v[pl.ds(i * 16, 16)] = jnp.ones((16,), jnp.float32)

        @pl.loop(0, RPW // 16)
        def _(i):
            zer_v[pl.ds(i * 16, 16)] = jnp.zeros((16,), jnp.float32)

        base = s * RPW
        pltpu.sync_copy(zer_v, dsrc_sh.at[pl.ds(base, RPW)])
        pltpu.sync_copy(zer_v, ddst_sh.at[pl.ds(base, RPW)])
        pltpu.sync_copy(idx_hbm.at[0, wid], src_v)
        pltpu.sync_copy(idx_hbm.at[1, wid], dst_v)
        plsc.subcore_barrier()

        @pl.loop(0, NCHUNK)
        def _(j):
            pltpu.sync_copy(ones_v, dsrc_sh.at[src_v.at[j]], add=True)
            pltpu.sync_copy(ones_v, ddst_sh.at[dst_v.at[j]], add=True)

        plsc.subcore_barrier()
        pltpu.sync_copy(dsrc_sh.at[pl.ds(base, RPW)],
                        out_hbm.at[c, 0, pl.ds(base, RPW)])
        pltpu.sync_copy(ddst_sh.at[pl.ds(base, RPW)],
                        out_hbm.at[c, 1, pl.ds(base, RPW)])

    return k(idx_all)


def _sc_aggregate(h, idx_all, width, stage_table):
    rpt = N // NS

    @functools.partial(
        pl.kernel,
        out_type=jax.ShapeDtypeStruct((2, NPAD, width), jnp.float32),
        mesh=_MESH,
        scratch_types=[
            pltpu.VMEM((NCHUNK, CH), jnp.int32),
            pltpu.VMEM((NCHUNK, CH), jnp.int32),
            pltpu.VMEM((CH, width), jnp.float32),
            pltpu.VMEM_SHARED((N if stage_table else 1, width), jnp.float32),
            pltpu.VMEM_SHARED((NPAD, width), jnp.float32),
        ],
        compiler_params=pltpu.CompilerParams(use_tc_tiling_on_sc=False),
    )
    def k(h_hbm, idx_hbm, out_hbm, src_v, dst_v, st_v, hst_sh, agg_sh):
        c = lax.axis_index("c")
        s = lax.axis_index("s")
        wid = c * NS + s
        qpr = width // 16

        @pl.loop(0, CH * qpr)
        def _(t):
            st_v[t // qpr, pl.ds((t % qpr) * 16, 16)] = (
                jnp.zeros((16,), jnp.float32))

        base = s * RPW

        @pl.loop(0, RPW // CH)
        def _(t):
            pltpu.sync_copy(st_v, agg_sh.at[pl.ds(base + t * CH, CH)])

        if stage_table:
            pltpu.sync_copy(h_hbm.at[pl.ds(s * rpt, rpt)],
                            hst_sh.at[pl.ds(s * rpt, rpt)])
        pltpu.sync_copy(idx_hbm.at[0, wid], src_v)
        pltpu.sync_copy(idx_hbm.at[1, wid], dst_v)
        plsc.subcore_barrier()

        if stage_table:
            @pl.loop(0, NCHUNK)
            def _(j):
                pltpu.sync_copy(hst_sh.at[src_v.at[j]], st_v)
                pltpu.sync_copy(st_v, agg_sh.at[dst_v.at[j]], add=True)
        else:
            @pl.loop(0, NCHUNK)
            def _(j):
                pltpu.sync_copy(h_hbm.at[src_v.at[j]], st_v)
                pltpu.sync_copy(st_v, agg_sh.at[dst_v.at[j]], add=True)

        plsc.subcore_barrier()
        pltpu.sync_copy(agg_sh.at[pl.ds(base, RPW)],
                        out_hbm.at[c, pl.ds(base, RPW)])

    return k(h, idx_all)


def _sc_aggregate_bf16(h1i, idx_all):
    HC = NCHUNK // 2
    W2I = D_HID // 2

    @functools.partial(
        pl.kernel,
        out_type=jax.ShapeDtypeStruct((2, NPAD, D_HID), jnp.float32),
        mesh=_MESH,
        scratch_types=[
            pltpu.VMEM((HC, CH), jnp.int32),
            pltpu.VMEM((HC, CH), jnp.int32),
            pltpu.VMEM((2, CH, W2I), jnp.int32),
            pltpu.VMEM((CH, D_HID), jnp.float32),
            pltpu.SemaphoreType.DMA,
            pltpu.SemaphoreType.DMA,
            pltpu.VMEM_SHARED((NPAD, D_HID), jnp.float32),
        ],
        compiler_params=pltpu.CompilerParams(use_tc_tiling_on_sc=False,
                                             needs_layout_passes=False),
    )
    def k(h_hbm, idx_hbm, out_hbm, src_v, dst_v, bf_v, st_v,
          gs, ss, agg_sh):
        c = lax.axis_index("c")
        s = lax.axis_index("s")
        wid = c * NS + s

        @pl.loop(0, CH * 8)
        def _(t):
            st_v[t // 8, pl.ds((t % 8) * 16, 16)] = (
                jnp.zeros((16,), jnp.float32))

        base = s * RPW

        @pl.loop(0, RPW // CH)
        def _(t):
            pltpu.sync_copy(st_v, agg_sh.at[pl.ds(base + t * CH, CH)])

        plsc.subcore_barrier()

        for ph in range(2):
            pltpu.sync_copy(idx_hbm.at[0, wid, pl.ds(ph * HC, HC)], src_v)
            pltpu.sync_copy(idx_hbm.at[1, wid, pl.ds(ph * HC, HC)], dst_v)
            pltpu.async_copy(h_hbm.at[src_v.at[0]], bf_v.at[0], gs)

            @pl.loop(0, HC)
            def _(jj):
                p = jj & 1
                pltpu.make_async_copy(
                    h_hbm.at[src_v.at[jj]], bf_v.at[p], gs).wait()

                @pl.when(jj + 1 < HC)
                def _():
                    pltpu.async_copy(
                        h_hbm.at[src_v.at[jj + 1]], bf_v.at[1 - p], gs)

                @pl.when(jj > 0)
                def _():
                    pltpu.make_async_copy(
                        st_v, agg_sh.at[dst_v.at[jj - 1]], ss).wait()

                @pl.loop(0, CH)
                def _(r):
                    for g in range(4):
                        x = bf_v[p, r, pl.ds(g * 16, 16)]
                        lo = plsc.bitcast(lax.shift_left(x, 16), jnp.float32)
                        hi = plsc.bitcast(
                            lax.bitwise_and(x, jnp.int32(-65536)), jnp.float32)
                        st_v[r, pl.ds(g * 32, 16)] = lo
                        st_v[r, pl.ds(g * 32 + 16, 16)] = hi

                pltpu.async_copy(st_v, agg_sh.at[dst_v.at[jj]], ss, add=True)

            pltpu.make_async_copy(st_v, agg_sh.at[dst_v.at[HC - 1]], ss).wait()

        plsc.subcore_barrier()
        pltpu.sync_copy(agg_sh.at[pl.ds(base, RPW)],
                        out_hbm.at[c, pl.ds(base, RPW)])

    return k(h1i, idx_all)


import numpy as _np
_PERM_F = _np.empty(D_HID, dtype=_np.int32)
for _g in range(4):
    for _k in range(16):
        _PERM_F[32 * _g + 2 * _k] = 32 * _g + _k
        _PERM_F[32 * _g + 2 * _k + 1] = 32 * _g + 16 + _k


_ROWS = 400
_GRID = N // _ROWS


def _tc_layer1(x, w1, degp):

    def body(x_ref, w_ref, d_ref, o_ref):
        d = d_ref[0, 0] + d_ref[1, 0]
        nrm = lax.rsqrt(jnp.maximum(d, 1.0))
        o_ref[...] = (jnp.dot(x_ref[...], w_ref[...],
                              preferred_element_type=jnp.float32,
                              precision=lax.Precision.HIGHEST)
                      * nrm).astype(jnp.bfloat16)

    return pl.pallas_call(
        body,
        grid=(_GRID,),
        in_specs=[
            pl.BlockSpec((_ROWS, D_IN), lambda i: (i, 0)),
            pl.BlockSpec((D_IN, D_HID), lambda i: (0, 0)),
            pl.BlockSpec((2, 2, _ROWS, 1), lambda i: (0, 0, i, 0)),
        ],
        out_specs=pl.BlockSpec((_ROWS, D_HID), lambda i: (i, 0)),
        out_shape=jax.ShapeDtypeStruct((N, D_HID), jnp.bfloat16),
    )(x, w1, degp)


def _tc_layer2(p1, degp, b1, w2):

    def body(p_ref, d_ref, b_ref, w_ref, o_ref):
        dout = d_ref[0, 0] + d_ref[1, 0]
        din = d_ref[0, 1] + d_ref[1, 1]
        nin = lax.rsqrt(jnp.maximum(din, 1.0))
        nout = lax.rsqrt(jnp.maximum(dout, 1.0))
        h = p_ref[0] + p_ref[1]
        h = jnp.maximum(h * nin + b_ref[...], 0.0)
        o_ref[...] = jnp.dot(h, w_ref[...],
                             preferred_element_type=jnp.float32,
                             precision=lax.Precision.HIGHEST) * nout

    return pl.pallas_call(
        body,
        grid=(_GRID,),
        in_specs=[
            pl.BlockSpec((2, _ROWS, D_HID), lambda i: (0, i, 0)),
            pl.BlockSpec((2, 2, _ROWS, 1), lambda i: (0, 0, i, 0)),
            pl.BlockSpec((1, D_HID), lambda i: (0, 0)),
            pl.BlockSpec((D_HID, D_OUT), lambda i: (0, 0)),
        ],
        out_specs=pl.BlockSpec((_ROWS, D_OUT), lambda i: (i, 0)),
        out_shape=jax.ShapeDtypeStruct((N, D_OUT), jnp.float32),
    )(p1, degp, b1, w2)


def _tc_final(p2, degp, b2):

    def body(p_ref, d_ref, b_ref, o_ref):
        din = d_ref[0, 1] + d_ref[1, 1]
        nin = lax.rsqrt(jnp.maximum(din, 1.0))
        o_ref[...] = (p_ref[0] + p_ref[1]) * nin + b_ref[...]

    return pl.pallas_call(
        body,
        grid=(_GRID,),
        in_specs=[
            pl.BlockSpec((2, _ROWS, D_OUT), lambda i: (0, i, 0)),
            pl.BlockSpec((2, 2, _ROWS, 1), lambda i: (0, 0, i, 0)),
            pl.BlockSpec((1, D_OUT), lambda i: (0, 0)),
        ],
        out_specs=pl.BlockSpec((_ROWS, D_OUT), lambda i: (i, 0)),
        out_shape=jax.ShapeDtypeStruct((N, D_OUT), jnp.float32),
    )(p2, degp, b2)


def kernel(features, edge_index, W1, b1, W2, b2):
    e = edge_index.astype(jnp.int32)
    src = e[0].reshape(NW, EPW)
    dst = e[1].reshape(NW, EPW)
    npad_e = EPAD - EPW
    pad_lanes = jnp.arange(npad_e, dtype=jnp.int32)
    pad_real = jnp.broadcast_to(pad_lanes % 16, (NW, npad_e))
    pad_dummy = jnp.broadcast_to(N + pad_lanes % (NPAD - N), (NW, npad_e))
    srcp = jnp.concatenate([src, pad_real], axis=1).reshape(NW, NCHUNK, CH)
    srcd = jnp.concatenate([src, pad_dummy], axis=1).reshape(NW, NCHUNK, CH)
    dstp = jnp.concatenate([dst, pad_dummy], axis=1).reshape(NW, NCHUNK, CH)
    idx_all = jnp.stack([srcp, dstp])
    idx_deg = jnp.stack([srcd, dstp])

    degp = _sc_degrees(idx_deg).reshape(2, 2, NPAD, 1)
    h1p = _tc_layer1(features, W1[:, _PERM_F], degp)
    h1i = lax.bitcast_convert_type(
        h1p.reshape(N, D_HID // 2, 2), jnp.int32)
    p1 = _sc_aggregate_bf16(h1i, idx_all)
    h2 = _tc_layer2(p1, degp, b1.reshape(1, D_HID), W2)
    p2 = _sc_aggregate(h2, idx_all, D_OUT, stage_table=True)
    return _tc_final(p2, degp, b2.reshape(1, D_OUT))

# --- scband reference (transcript-rebuilt; emitter-appended) ---
"""Pipeline reference for scband-simple-gcn-31576599560550 (READ-ONLY COPY).

The authoritative reference and input builder live on the scoring server;
editing this copy changes nothing except your own understanding.
"""

import jax, jax.numpy as jnp
import numpy as np

N_NODES = 10000
N_EDGES = 320000
D_IN = 128
D_HID = 128
D_OUT = 16

def setup_inputs(seed: int = 0) -> dict:
    key = jax.random.key(seed)
    k1, k2, k3, k4, k5, k6 = jax.random.split(key, 6)
    features = jax.random.normal(k1, (N_NODES, D_IN), dtype=jnp.float32)
    edge_index = jax.random.randint(k2, (2, N_EDGES), 0, N_NODES, dtype=jnp.int64)
    # Glorot-style init for GraphConv weights, zeros for bias (DGL defaults)
    W1 = jax.random.normal(k3, (D_IN, D_HID), dtype=jnp.float32) * (1.0 / np.sqrt(D_IN))
    b1 = jnp.zeros((D_HID,), dtype=jnp.float32)
    W2 = jax.random.normal(k4, (D_HID, D_OUT), dtype=jnp.float32) * (1.0 / np.sqrt(D_HID))
    b2 = jnp.zeros((D_OUT,), dtype=jnp.float32)
    return {"features": features, "edge_index": edge_index, "W1": W1, "b1": b1, "W2": W2, "b2": b2}

def reference(features, edge_index, W1, b1, W2, b2):
    # SimpleGCN with 2 dgl.nn.GraphConv layers (norm='both', bias=True,
    # allow_zero_in_degree=True). Dropout is identity in eval mode.
    N = features.shape[0]
    src = edge_index[0]
    dst = edge_index[1]
    deg_out = jnp.bincount(src, length=N)
    deg_in = jnpp_bincount = jnp.bincount(dst, length=N)
    norm_out = jax.lax.rsqrt(jnp.maximum(deg_out, 1).astype(features.dtype))
    norm_in = jax.lax.rsqrt(jnp.maximum(deg_in, 1).astype(features.dtype))

    def graph_conv(h, W, b):
        # weight-first (in_feats >= out_feats path); math is equivalent either way
        h = h @ W
        h = h * norm_out[:, None]
        msg = jnp.take(h, src, axis=0)
        agg = jax.ops.segment_sum(msg, dst, num_segments=N)
        agg = agg * norm_in[:, None]
        return agg + b

    h = jax.nn.relu(graph_conv(features, W1, b1))
    h = graph_conv(h, W2, b2)
    return h

if __name__ == "__main__":
    import jax
    _d = setup_inputs()
    print(jax.jit(kernel)(*tuple(_d.values())))

</pallas_src>

<mosaic_0001>
#map = affine_map<(d0, d1) -> (0, 0, 0, 0)>
#map1 = affine_map<(d0, d1) -> (0, 0, 0)>
module attributes {stable_mosaic.version = 14 : i64} {
  func.func @k(%arg0: i32, %arg1: i32, %arg2: memref<2x32x80x128xi32, #tpu.memory_space<hbm>>, %arg3: memref<2x2x10240xf32, #tpu.memory_space<hbm>>, %arg4: memref<80x128xi32, #tpu.memory_space<vmem>>, %arg5: memref<80x128xi32, #tpu.memory_space<vmem>>, %arg6: memref<128xf32, #tpu.memory_space<vmem>>, %arg7: memref<640xf32, #tpu.memory_space<vmem>>, %arg8: memref<10240xf32, #tpu.memory_space<vmem_shared>>, %arg9: memref<10240xf32, #tpu.memory_space<vmem_shared>>) attributes {dimension_semantics = [#tpu.dimension_semantics<core_parallel>, #tpu.dimension_semantics<subcore_parallel>], iteration_bounds = array<i64: 2, 16>, scalar_prefetch = 0 : i64, scratch_operands = 6 : i64, tpu.core_type = #tpu.core_type<sc_vector_subcore>, window_params = [{transform_indices = #map}, {transform_indices = #map1}]} {
    %mul3A = arith.constant 16 : i32
    %mul3A_0 = arith.muli %arg0, %mul3A : i32
    %add3A = arith.addi %mul3A_0, %arg1 : i32
    %scan3A = arith.constant 0 : i32
    %scan3A_1 = arith.constant 8 : i32
    %scan3A_2 = arith.addi %scan3A, %scan3A_1 : i32
    %scan3A_3 = arith.constant 1 : i32
    scf.for %scan3A_21 = %scan3A to %scan3A_2 step %scan3A_3  : i32 {
      %mul3A_22 = arith.constant 1 : i32
      %mul3A_23 = arith.muli %scan3A_21, %mul3A_22 : i32
      %add3A_24 = arith.constant 0 : i32
      %add3A_25 = arith.addi %add3A_24, %mul3A_23 : i32
      %broadcast_in_dim3A = arith.constant 1.000000e+00 : f32
      %broadcast_in_dim3A_26 = vector.broadcast %broadcast_in_dim3A : f32 to vector<16xf32>
      %mul3A_27 = arith.constant 16 : i32
      %mul3A_28 = arith.muli %add3A_25, %mul3A_27 : i32
      %swap3A = arith.index_cast %mul3A_28 : i32 to index
      %swap3A_29 = tpu.vector_load %arg6[%swap3A] {strides = array<i32>} : memref<128xf32, #tpu.memory_space<vmem>>, vector<16xf32>,
      %swap3A_30 = vector.shape_cast %swap3A_29 : vector<16xf32> to vector<16xf32>
      %swap3A_31 = vector.shape_cast %broadcast_in_dim3A_26 : vector<16xf32> to vector<16xf32>
      tpu.vector_store %arg6[%swap3A], %swap3A_31 {strides = array<i32>} : memref<128xf32, #tpu.memory_space<vmem>>, vector<16xf32>,
    }
    %scan3A_4 = arith.constant 8 : i32
    %scan3A_5 = arith.constant 0 : i32
    %scan3A_6 = arith.constant 40 : i32
    %scan3A_7 = arith.addi %scan3A_5, %scan3A_6 : i32
    %scan3A_8 = arith.constant 1 : i32
    scf.for %scan3A_21 = %scan3A_5 to %scan3A_7 step %scan3A_8  : i32 {
      %mul3A_22 = arith.constant 1 : i32
      %mul3A_23 = arith.muli %scan3A_21, %mul3A_22 : i32
      %add3A_24 = arith.constant 0 : i32
      %add3A_25 = arith.addi %add3A_24, %mul3A_23 : i32
      %broadcast_in_dim3A = arith.constant 0.000000e+00 : f32
      %broadcast_in_dim3A_26 = vector.broadcast %broadcast_in_dim3A : f32 to vector<16xf32>
      %mul3A_27 = arith.constant 16 : i32
      %mul3A_28 = arith.muli %add3A_25, %mul3A_27 : i32
      %swap3A = arith.index_cast %mul3A_28 : i32 to index
      %swap3A_29 = tpu.vector_load %arg7[%swap3A] {strides = array<i32>} : memref<640xf32, #tpu.memory_space<vmem>>, vector<16xf32>,
      %swap3A_30 = vector.shape_cast %swap3A_29 : vector<16xf32> to vector<16xf32>
      %swap3A_31 = vector.shape_cast %broadcast_in_dim3A_26 : vector<16xf32> to vector<16xf32>
      tpu.vector_store %arg7[%swap3A], %swap3A_31 {strides = array<i32>} : memref<640xf32, #tpu.memory_space<vmem>>, vector<16xf32>,
    }
    %scan3A_9 = arith.constant 40 : i32
    %mul3A_10 = arith.constant 640 : i32
    %mul3A_11 = arith.muli %arg1, %mul3A_10 : i32
    "tpu.region"() ({
      %run_scoped3A_21 = tpu.sem_alloc : memref<!tpu.dma_semaphore, #tpu.memory_space<semaphore_mem>>
      %dma_start3A = tpu.memref_slice %arg8[%mul3A_11] : memref<10240xf32, #tpu.memory_space<vmem_shared>> -> memref<640xf32, #tpu.memory_space<vmem_shared>>
      %dma_start3A_22 = tpu.memref_slice %arg8[%mul3A_11] : memref<10240xf32, #tpu.memory_space<vmem_shared>> -> memref<640xf32, #tpu.memory_space<vmem_shared>>
      tpu.enqueue_dma source(%arg7 : memref<640xf32, #tpu.memory_space<vmem>>) target(%dma_start3A_22 : memref<640xf32, #tpu.memory_space<vmem_shared>>) target_semaphore(%run_scoped3A_21 : memref<!tpu.dma_semaphore, #tpu.memory_space<semaphore_mem>>)
      %dma_wait3A = tpu.memref_slice %arg8[%mul3A_11] : memref<10240xf32, #tpu.memory_space<vmem_shared>> -> memref<640xf32, #tpu.memory_space<vmem_shared>>
      %dma_wait3A_23 = tpu.memref_slice %arg8[%mul3A_11] : memref<10240xf32, #tpu.memory_space<vmem_shared>> -> memref<640xf32, #tpu.memory_space<vmem_shared>>
      tpu.wait_dma2 semaphore(%run_scoped3A_21 : memref<!tpu.dma_semaphore, #tpu.memory_space<semaphore_mem>>) src(%arg7 : memref<640xf32, #tpu.memory_space<vmem>>) dst(%dma_wait3A_23 : memref<640xf32, #tpu.memory_space<vmem_shared>>)
      tpu.yield
    }) : () -> ()
    "tpu.region"() ({
      %run_scoped3A_21 = tpu.sem_alloc : memref<!tpu.dma_semaphore, #tpu.memory_space<semaphore_mem>>
      %dma_start3A = tpu.memref_slice %arg9[%mul3A_11] : memref<10240xf32, #tpu.memory_space<vmem_shared>> -> memref<640xf32, #tpu.memory_space<vmem_shared>>
      %dma_start3A_22 = tpu.memref_slice %arg9[%mul3A_11] : memref<10240xf32, #tpu.memory_space<vmem_shared>> -> memref<640xf32, #tpu.memory_space<vmem_shared>>
      tpu.enqueue_dma source(%arg7 : memref<640xf32, #tpu.memory_space<vmem>>) target(%dma_start3A_22 : memref<640xf32, #tpu.memory_space<vmem_shared>>) target_semaphore(%run_scoped3A_21 : memref<!tpu.dma_semaphore, #tpu.memory_space<semaphore_mem>>)
      %dma_wait3A = tpu.memref_slice %arg9[%mul3A_11] : memref<10240xf32, #tpu.memory_space<vmem_shared>> -> memref<640xf32, #tpu.memory_space<vmem_shared>>
      %dma_wait3A_23 = tpu.memref_slice %arg9[%mul3A_11] : memref<10240xf32, #tpu.memory_space<vmem_shared>> -> memref<640xf32, #tpu.memory_space<vmem_shared>>
      tpu.wait_dma2 semaphore(%run_scoped3A_21 : memref<!tpu.dma_semaphore, #tpu.memory_space<semaphore_mem>>) src(%arg7 : memref<640xf32, #tpu.memory_space<vmem>>) dst(%dma_wait3A_23 : memref<640xf32, #tpu.memory_space<vmem_shared>>)
      tpu.yield
    }) : () -> ()
    %run_scoped3A = arith.constant 0 : i32
    "tpu.region"() ({
      %run_scoped3A_21 = tpu.sem_alloc : memref<!tpu.dma_semaphore, #tpu.memory_space<semaphore_mem>>
      %dma_start3A = arith.constant 0 : i32
      %dma_start3A_22 = arith.constant 0 : i32
      %dma_start3A_23 = tpu.memref_slice %arg2[%run_scoped3A, %add3A, %dma_start3A, %dma_start3A_22] : memref<2x32x80x128xi32, #tpu.memory_space<hbm>> -> memref<1x1x80x128xi32, #tpu.memory_space<hbm>>
      %dma_start3A_24 = tpu.memref_squeeze %dma_start3A_23 : memref<1x1x80x128xi32, #tpu.memory_space<hbm>> -> memref<80x128xi32, #tpu.memory_space<hbm>>
      %dma_start3A_25 = arith.constant 0 : i32
      %dma_start3A_26 = arith.constant 0 : i32
      %dma_start3A_27 = tpu.memref_slice %arg2[%run_scoped3A, %add3A, %dma_start3A_25, %dma_start3A_26] : memref<2x32x80x128xi32, #tpu.memory_space<hbm>> -> memref<1x1x80x128xi32, #tpu.memory_space<hbm>>
      %dma_start3A_28 = tpu.memref_squeeze %dma_start3A_27 : memref<1x1x80x128xi32, #tpu.memory_space<hbm>> -> memref<80x128xi32, #tpu.memory_space<hbm>>
      tpu.enqueue_dma source(%dma_start3A_28 : memref<80x128xi32, #tpu.memory_space<hbm>>) target(%arg4 : memref<80x128xi32, #tpu.memory_space<vmem>>) target_semaphore(%run_scoped3A_21 : memref<!tpu.dma_semaphore, #tpu.memory_space<semaphore_mem>>)
      %dma_wait3A = arith.constant 0 : i32
      %dma_wait3A_29 = arith.constant 0 : i32
      %dma_wait3A_30 = tpu.memref_slice %arg2[%run_scoped3A, %add3A, %dma_wait3A, %dma_wait3A_29] : memref<2x32x80x128xi32, #tpu.memory_space<hbm>> -> memref<1x1x80x128xi32, #tpu.memory_space<hbm>>
      %dma_wait3A_31 = tpu.memref_squeeze %dma_wait3A_30 : memref<1x1x80x128xi32, #tpu.memory_space<hbm>> -> memref<80x128xi32, #tpu.memory_space<hbm>>
      %dma_wait3A_32 = arith.constant 0 : i32
      %dma_wait3A_33 = arith.constant 0 : i32
      %dma_wait3A_34 = tpu.memref_slice %arg2[%run_scoped3A, %add3A, %dma_wait3A_32, %dma_wait3A_33] : memref<2x32x80x128xi32, #tpu.memory_space<hbm>> -> memref<1x1x80x128xi32, #tpu.memory_space<hbm>>
      %dma_wait3A_35 = tpu.memref_squeeze %dma_wait3A_34 : memref<1x1x80x128xi32, #tpu.memory_space<hbm>> -> memref<80x128xi32, #tpu.memory_space<hbm>>
      tpu.wait_dma2 semaphore(%run_scoped3A_21 : memref<!tpu.dma_semaphore, #tpu.memory_space<semaphore_mem>>) src(%dma_wait3A_35 : memref<80x128xi32, #tpu.memory_space<hbm>>) dst(%arg4 : memref<80x128xi32, #tpu.memory_space<vmem>>)
      tpu.yield
    }) : () -> ()
    %run_scoped3A_12 = arith.constant 1 : i32
    "tpu.region"() ({
      %run_scoped3A_21 = tpu.sem_alloc : memref<!tpu.dma_semaphore, #tpu.memory_space<semaphore_mem>>
      %dma_start3A = arith.constant 0 : i32
      %dma_start3A_22 = arith.constant 0 : i32
      %dma_start3A_23 = tpu.memref_slice %arg2[%run_scoped3A_12, %add3A, %dma_start3A, %dma_start3A_22] : memref<2x32x80x128xi32, #tpu.memory_space<hbm>> -> memref<1x1x80x128xi32, #tpu.memory_space<hbm>>
      %dma_start3A_24 = tpu.memref_squeeze %dma_start3A_23 : memref<1x1x80x128xi32, #tpu.memory_space<hbm>> -> memref<80x128xi32, #tpu.memory_space<hbm>>
      %dma_start3A_25 = arith.constant 0 : i32
      %dma_start3A_26 = arith.constant 0 : i32
      %dma_start3A_27 = tpu.memref_slice %arg2[%run_scoped3A_12, %add3A, %dma_start3A_25, %dma_start3A_26] : memref<2x32x80x128xi32, #tpu.memory_space<hbm>> -> memref<1x1x80x128xi32, #tpu.memory_space<hbm>>
      %dma_start3A_28 = tpu.memref_squeeze %dma_start3A_27 : memref<1x1x80x128xi32, #tpu.memory_space<hbm>> -> memref<80x128xi32, #tpu.memory_space<hbm>>
      tpu.enqueue_dma source(%dma_start3A_28 : memref<80x128xi32, #tpu.memory_space<hbm>>) target(%arg5 : memref<80x128xi32, #tpu.memory_space<vmem>>) target_semaphore(%run_scoped3A_21 : memref<!tpu.dma_semaphore, #tpu.memory_space<semaphore_mem>>)
      %dma_wait3A = arith.constant 0 : i32
      %dma_wait3A_29 = arith.constant 0 : i32
      %dma_wait3A_30 = tpu.memref_slice %arg2[%run_scoped3A_12, %add3A, %dma_wait3A, %dma_wait3A_29] : memref<2x32x80x128xi32, #tpu.memory_space<hbm>> -> memref<1x1x80x128xi32, #tpu.memory_space<hbm>>
      %dma_wait3A_31 = tpu.memref_squeeze %dma_wait3A_30 : memref<1x1x80x128xi32, #tpu.memory_space<hbm>> -> memref<80x128xi32, #tpu.memory_space<hbm>>
      %dma_wait3A_32 = arith.constant 0 : i32
      %dma_wait3A_33 = arith.constant 0 : i32
      %dma_wait3A_34 = tpu.memref_slice %arg2[%run_scoped3A_12, %add3A, %dma_wait3A_32, %dma_wait3A_33] : memref<2x32x80x128xi32, #tpu.memory_space<hbm>> -> memref<1x1x80x128xi32, #tpu.memory_space<hbm>>
      %dma_wait3A_35 = tpu.memref_squeeze %dma_wait3A_34 : memref<1x1x80x128xi32, #tpu.memory_space<hbm>> -> memref<80x128xi32, #tpu.memory_space<hbm>>
      tpu.wait_dma2 semaphore(%run_scoped3A_21 : memref<!tpu.dma_semaphore, #tpu.memory_space<semaphore_mem>>) src(%dma_wait3A_35 : memref<80x128xi32, #tpu.memory_space<hbm>>) dst(%arg5 : memref<80x128xi32, #tpu.memory_space<vmem>>)
      tpu.yield
    }) : () -> ()
    %barrier3A = arith.constant 0 : index
    tpu.barrier barrier_id(%barrier3A)
    %scan3A_13 = arith.constant 0 : i32
    %scan3A_14 = arith.constant 80 : i32
    %scan3A_15 = arith.addi %scan3A_13, %scan3A_14 : i32
    %scan3A_16 = arith.constant 1 : i32
    scf.for %scan3A_21 = %scan3A_13 to %scan3A_15 step %scan3A_16  : i32 {
      %mul3A_22 = arith.constant 1 : i32
      %mul3A_23 = arith.muli %scan3A_21, %mul3A_22 : i32
      %add3A_24 = arith.constant 0 : i32
      %add3A_25 = arith.addi %add3A_24, %mul3A_23 : i32
      "tpu.region"() ({
        %run_scoped3A_26 = tpu.sem_alloc : memref<!tpu.dma_semaphore, #tpu.memory_space<semaphore_mem>>
        %dma_start3A = arith.constant 0 : i32
        %dma_start3A_27 = tpu.memref_slice %arg4[%add3A_25, %dma_start3A] : memref<80x128xi32, #tpu.memory_space<vmem>> -> memref<1x128xi32, #tpu.memory_space<vmem>>
        %dma_start3A_28 = tpu.memref_squeeze %dma_start3A_27 : memref<1x128xi32, #tpu.memory_space<vmem>> -> memref<128xi32, #tpu.memory_space<vmem>>
        %dma_start3A_29 = arith.constant 0 : i32
        %dma_start3A_30 = tpu.memref_slice %arg8[%dma_start3A_29] : memref<10240xf32, #tpu.memory_space<vmem_shared>> -> memref<10240xf32, #tpu.memory_space<vmem_shared>>
        tpu.enqueue_indirect_dma source(%arg6 : memref<128xf32, #tpu.memory_space<vmem>>) target(%dma_start3A_30 : memref<10240xf32, #tpu.memory_space<vmem_shared>>) offsets(%dma_start3A_28 : memref<128xi32, #tpu.memory_space<vmem>>) semaphore(%run_scoped3A_26 : memref<!tpu.dma_semaphore, #tpu.memory_space<semaphore_mem>>) {add = true}
        %dma_wait3A = arith.constant 0 : i32
        %dma_wait3A_31 = tpu.memref_slice %arg4[%add3A_25, %dma_wait3A] : memref<80x128xi32, #tpu.memory_space<vmem>> -> memref<1x128xi32, #tpu.memory_space<vmem>>
        %dma_wait3A_32 = tpu.memref_squeeze %dma_wait3A_31 : memref<1x128xi32, #tpu.memory_space<vmem>> -> memref<128xi32, #tpu.memory_space<vmem>>
        %dma_wait3A_33 = arith.constant 0 : i32
        %dma_wait3A_34 = tpu.memref_slice %arg8[%dma_wait3A_33] : memref<10240xf32, #tpu.memory_space<vmem_shared>> -> memref<10240xf32, #tpu.memory_space<vmem_shared>>
        tpu.wait_indirect_dma semaphore(%run_scoped3A_26 : memref<!tpu.dma_semaphore, #tpu.memory_space<semaphore_mem>>) src(%arg6 : memref<128xf32, #tpu.memory_space<vmem>>) dst(%dma_wait3A_34 : memref<10240xf32, #tpu.memory_space<vmem_shared>>)
        tpu.yield
      }) : () -> ()
      "tpu.region"() ({
        %run_scoped3A_26 = tpu.sem_alloc : memref<!tpu.dma_semaphore, #tpu.memory_space<semaphore_mem>>
        %dma_start3A = arith.constant 0 : i32
        %dma_start3A_27 = tpu.memref_slice %arg5[%add3A_25, %dma_start3A] : memref<80x128xi32, #tpu.memory_space<vmem>> -> memref<1x128xi32, #tpu.memory_space<vmem>>
        %dma_start3A_28 = tpu.memref_squeeze %dma_start3A_27 : memref<1x128xi32, #tpu.memory_space<vmem>> -> memref<128xi32, #tpu.memory_space<vmem>>
        %dma_start3A_29 = arith.constant 0 : i32
        %dma_start3A_30 = tpu.memref_slice %arg9[%dma_start3A_29] : memref<10240xf32, #tpu.memory_space<vmem_shared>> -> memref<10240xf32, #tpu.memory_space<vmem_shared>>
        tpu.enqueue_indirect_dma source(%arg6 : memref<128xf32, #tpu.memory_space<vmem>>) target(%dma_start3A_30 : memref<10240xf32, #tpu.memory_space<vmem_shared>>) offsets(%dma_start3A_28 : memref<128xi32, #tpu.memory_space<vmem>>) semaphore(%run_scoped3A_26 : memref<!tpu.dma_semaphore, #tpu.memory_space<semaphore_mem>>) {add = true}
        %dma_wait3A = arith.constant 0 : i32
        %dma_wait3A_31 = tpu.memref_slice %arg5[%add3A_25, %dma_wait3A] : memref<80x128xi32, #tpu.memory_space<vmem>> -> memref<1x128xi32, #tpu.memory_space<vmem>>
        %dma_wait3A_32 = tpu.memref_squeeze %dma_wait3A_31 : memref<1x128xi32, #tpu.memory_space<vmem>> -> memref<128xi32, #tpu.memory_space<vmem>>
        %dma_wait3A_33 = arith.constant 0 : i32
        %dma_wait3A_34 = tpu.memref_slice %arg9[%dma_wait3A_33] : memref<10240xf32, #tpu.memory_space<vmem_shared>> -> memref<10240xf32, #tpu.memory_space<vmem_shared>>
        tpu.wait_indirect_dma semaphore(%run_scoped3A_26 : memref<!tpu.dma_semaphore, #tpu.memory_space<semaphore_mem>>) src(%arg6 : memref<128xf32, #tpu.memory_space<vmem>>) dst(%dma_wait3A_34 : memref<10240xf32, #tpu.memory_space<vmem_shared>>)
        tpu.yield
      }) : () -> ()
    }
    %scan3A_17 = arith.constant 80 : i32
    %barrier3A_18 = arith.constant 0 : index
    tpu.barrier barrier_id(%barrier3A_18)
    %run_scoped3A_19 = arith.constant 0 : i32
    "tpu.region"() ({
      %run_scoped3A_21 = tpu.sem_alloc : memref<!tpu.dma_semaphore, #tpu.memory_space<semaphore_mem>>
      %dma_start3A = tpu.memref_slice %arg3[%arg0, %run_scoped3A_19, %mul3A_11] : memref<2x2x10240xf32, #tpu.memory_space<hbm>> -> memref<1x1x640xf32, #tpu.memory_space<hbm>>
      %dma_start3A_22 = tpu.memref_squeeze %dma_start3A : memref<1x1x640xf32, #tpu.memory_space<hbm>> -> memref<640xf32, #tpu.memory_space<hbm>>
      %dma_start3A_23 = tpu.memref_slice %arg8[%mul3A_11] : memref<10240xf32, #tpu.memory_space<vmem_shared>> -> memref<640xf32, #tpu.memory_space<vmem_shared>>
      tpu.enqueue_dma source(%dma_start3A_23 : memref<640xf32, #tpu.memory_space<vmem_shared>>) target(%dma_start3A_22 : memref<640xf32, #tpu.memory_space<hbm>>) target_semaphore(%run_scoped3A_21 : memref<!tpu.dma_semaphore, #tpu.memory_space<semaphore_mem>>)
      %dma_wait3A = tpu.memref_slice %arg3[%arg0, %run_scoped3A_19, %mul3A_11] : memref<2x2x10240xf32, #tpu.memory_space<hbm>> -> memref<1x1x640xf32, #tpu.memory_space<hbm>>
      %dma_wait3A_24 = tpu.memref_squeeze %dma_wait3A : memref<1x1x640xf32, #tpu.memory_space<hbm>> -> memref<640xf32, #tpu.memory_space<hbm>>
      %dma_wait3A_25 = tpu.memref_slice %arg8[%mul3A_11] : memref<10240xf32, #tpu.memory_space<vmem_shared>> -> memref<640xf32, #tpu.memory_space<vmem_shared>>
      tpu.wait_dma2 semaphore(%run_scoped3A_21 : memref<!tpu.dma_semaphore, #tpu.memory_space<semaphore_mem>>) src(%dma_wait3A_25 : memref<640xf32, #tpu.memory_space<vmem_shared>>) dst(%dma_wait3A_24 : memref<640xf32, #tpu.memory_space<hbm>>)
      tpu.yield
    }) : () -> ()
    %run_scoped3A_20 = arith.constant 1 : i32
    "tpu.region"() ({
      %run_scoped3A_21 = tpu.sem_alloc : memref<!tpu.dma_semaphore, #tpu.memory_space<semaphore_mem>>
      %dma_start3A = tpu.memref_slice %arg3[%arg0, %run_scoped3A_20, %mul3A_11] : memref<2x2x10240xf32, #tpu.memory_space<hbm>> -> memref<1x1x640xf32, #tpu.memory_space<hbm>>
      %dma_start3A_22 = tpu.memref_squeeze %dma_start3A : memref<1x1x640xf32, #tpu.memory_space<hbm>> -> memref<640xf32, #tpu.memory_space<hbm>>
      %dma_start3A_23 = tpu.memref_slice %arg9[%mul3A_11] : memref<10240xf32, #tpu.memory_space<vmem_shared>> -> memref<640xf32, #tpu.memory_space<vmem_shared>>
      tpu.enqueue_dma source(%dma_start3A_23 : memref<640xf32, #tpu.memory_space<vmem_shared>>) target(%dma_start3A_22 : memref<640xf32, #tpu.memory_space<hbm>>) target_semaphore(%run_scoped3A_21 : memref<!tpu.dma_semaphore, #tpu.memory_space<semaphore_mem>>)
      %dma_wait3A = tpu.memref_slice %arg3[%arg0, %run_scoped3A_20, %mul3A_11] : memref<2x2x10240xf32, #tpu.memory_space<hbm>> -> memref<1x1x640xf32, #tpu.memory_space<hbm>>
      %dma_wait3A_24 = tpu.memref_squeeze %dma_wait3A : memref<1x1x640xf32, #tpu.memory_space<hbm>> -> memref<640xf32, #tpu.memory_space<hbm>>
      %dma_wait3A_25 = tpu.memref_slice %arg9[%mul3A_11] : memref<10240xf32, #tpu.memory_space<vmem_shared>> -> memref<640xf32, #tpu.memory_space<vmem_shared>>
      tpu.wait_dma2 semaphore(%run_scoped3A_21 : memref<!tpu.dma_semaphore, #tpu.memory_space<semaphore_mem>>) src(%dma_wait3A_25 : memref<640xf32, #tpu.memory_space<vmem_shared>>) dst(%dma_wait3A_24 : memref<640xf32, #tpu.memory_space<hbm>>)
      tpu.yield
    }) : () -> ()
    return
  }
}

#map = affine_map<(d0, d1) -> (0, 0)>
#map1 = affine_map<(d0, d1) -> (0, 0, 0, 0)>
#map2 = affine_map<(d0, d1) -> (0, 0, 0)>
module attributes {stable_mosaic.version = 14 : i64} {
  func.func @k(%arg0: i32, %arg1: i32, %arg2: memref<10000x64xi32, #tpu.memory_space<hbm>>, %arg3: memref<2x32x80x128xi32, #tpu.memory_space<hbm>>, %arg4: memref<2x10240x128xf32, #tpu.memory_space<hbm>>, %arg5: memref<40x128xi32, #tpu.memory_space<vmem>>, %arg6: memref<40x128xi32, #tpu.memory_space<vmem>>, %arg7: memref<2x128x64xi32, #tpu.memory_space<vmem>>, %arg8: memref<128x128xf32, #tpu.memory_space<vmem>>, %arg9: memref<!tpu.dma_semaphore, #tpu.memory_space<semaphore_mem>>, %arg10: memref<!tpu.dma_semaphore, #tpu.memory_space<semaphore_mem>>, %arg11: memref<10240x128xf32, #tpu.memory_space<vmem_shared>>) attributes {dimension_semantics = [#tpu.dimension_semantics<core_parallel>, #tpu.dimension_semantics<subcore_parallel>], iteration_bounds = array<i64: 2, 16>, scalar_prefetch = 0 : i64, scratch_operands = 7 : i64, tpu.core_type = #tpu.core_type<sc_vector_subcore>, window_params = [{transform_indices = #map}, {transform_indices = #map1}, {transform_indices = #map2}]} {
    %mul3A = arith.constant 16 : i32
    %mul3A_0 = arith.muli %arg0, %mul3A : i32
    %add3A = arith.addi %mul3A_0, %arg1 : i32
    %scan3A = arith.constant 0 : i32
    %scan3A_1 = arith.constant 1024 : i32
    %scan3A_2 = arith.addi %scan3A, %scan3A_1 : i32
    %scan3A_3 = arith.constant 1 : i32
    scf.for %scan3A_62 = %scan3A to %scan3A_2 step %scan3A_3  : i32 {
      %mul3A_63 = arith.constant 1 : i32
      %mul3A_64 = arith.muli %scan3A_62, %mul3A_63 : i32
      %add3A_65 = arith.constant 0 : i32
      %add3A_66 = arith.addi %add3A_65, %mul3A_64 : i32
      %broadcast_in_dim3A = arith.constant 0.000000e+00 : f32
      %broadcast_in_dim3A_67 = vector.broadcast %broadcast_in_dim3A : f32 to vector<16xf32>
      %jit3A = arith.constant 8 : i32
      %div3A = arith.divsi %add3A_66, %jit3A : i32
      %sign3A = arith.constant 0 : i32
      %sign3A_68 = arith.cmpi sgt, %add3A_66, %sign3A : i32
      %sign3A_69 = arith.extui %sign3A_68 : i1 to i32
      %sign3A_70 = arith.constant 0 : i32
      %sign3A_71 = arith.cmpi slt, %add3A_66, %sign3A_70 : i32
      %sign3A_72 = arith.extui %sign3A_71 : i1 to i32
      %sign3A_73 = arith.subi %sign3A_69, %sign3A_72 : i32
      %sign3A_74 = arith.constant 0 : i32
      %sign3A_75 = arith.cmpi sgt, %jit3A, %sign3A_74 : i32
      %sign3A_76 = arith.extui %sign3A_75 : i1 to i32
      %sign3A_77 = arith.constant 0 : i32
      %sign3A_78 = arith.cmpi slt, %jit3A, %sign3A_77 : i32
      %sign3A_79 = arith.extui %sign3A_78 : i1 to i32
      %sign3A_80 = arith.subi %sign3A_76, %sign3A_79 : i32
      %ne3A = arith.cmpi ne, %sign3A_73, %sign3A_80 : i32
      %rem3A = arith.remsi %add3A_66, %jit3A : i32
      %ne3A_81 = arith.constant 0 : i32
      %ne3A_82 = arith.cmpi ne, %rem3A, %ne3A_81 : i32
      %and3A = arith.andi %ne3A, %ne3A_82 : i1
      %sub3A = arith.constant 1 : i32
      %sub3A_83 = arith.subi %div3A, %sub3A : i32
      %select_n3A = arith.select %and3A, %sub3A_83, %div3A : i32
      %jit3A_84 = arith.constant 8 : i32
      %eq3A = arith.constant 0 : i32
      %eq3A_85 = arith.cmpi eq, %jit3A_84, %eq3A : i32
      %jit3A_86 = arith.constant 1 : i32
      %select_n3A_87 = arith.select %eq3A_85, %jit3A_86, %jit3A_84 : i32
      %rem3A_88 = arith.remsi %add3A_66, %select_n3A_87 : i32
      %ne3A_89 = arith.constant 0 : i32
      %ne3A_90 = arith.cmpi ne, %rem3A_88, %ne3A_89 : i32
      %lt3A = arith.constant 0 : i32
      %lt3A_91 = arith.cmpi slt, %rem3A_88, %lt3A : i32
      %lt3A_92 = arith.constant 0 : i32
      %lt3A_93 = arith.cmpi slt, %select_n3A_87, %lt3A_92 : i32
      %ne3A_94 = arith.xori %lt3A_91, %lt3A_93 : i1
      %and3A_95 = arith.andi %ne3A_94, %ne3A_90 : i1
      %add3A_96 = arith.addi %rem3A_88, %select_n3A_87 : i32
      %select_n3A_97 = arith.select %and3A_95, %add3A_96, %rem3A_88 : i32
      %mul3A_98 = arith.constant 16 : i32
      %mul3A_99 = arith.muli %select_n3A_97, %mul3A_98 : i32
      %swap3A = arith.index_cast %select_n3A : i32 to index
      %swap3A_100 = arith.index_cast %mul3A_99 : i32 to index
      %swap3A_101 = tpu.vector_load %arg8[%swap3A, %swap3A_100] {strides = array<i32>} : memref<128x128xf32, #tpu.memory_space<vmem>>, vector<16xf32>,
      tpu.vector_store %arg8[%swap3A, %swap3A_100], %broadcast_in_dim3A_67 {strides = array<i32>} : memref<128x128xf32, #tpu.memory_space<vmem>>, vector<16xf32>,
    }
    %scan3A_4 = arith.constant 1024 : i32
    %mul3A_5 = arith.constant 640 : i32
    %mul3A_6 = arith.muli %arg1, %mul3A_5 : i32
    %scan3A_7 = arith.constant 0 : i32
    %scan3A_8 = arith.constant 5 : i32
    %scan3A_9 = arith.addi %scan3A_7, %scan3A_8 : i32
    %scan3A_10 = arith.constant 1 : i32
    scf.for %scan3A_62 = %scan3A_7 to %scan3A_9 step %scan3A_10  : i32 {
      %mul3A_63 = arith.constant 1 : i32
      %mul3A_64 = arith.muli %scan3A_62, %mul3A_63 : i32
      %add3A_65 = arith.constant 0 : i32
      %add3A_66 = arith.addi %add3A_65, %mul3A_64 : i32
      %mul3A_67 = arith.constant 128 : i32
      %mul3A_68 = arith.muli %add3A_66, %mul3A_67 : i32
      %add3A_69 = arith.addi %mul3A_6, %mul3A_68 : i32
      "tpu.region"() ({
        %run_scoped3A_70 = tpu.sem_alloc : memref<!tpu.dma_semaphore, #tpu.memory_space<semaphore_mem>>
        %dma_start3A_71 = arith.constant 0 : i32
        %dma_start3A_72 = tpu.memref_slice %arg11[%add3A_69, %dma_start3A_71] : memref<10240x128xf32, #tpu.memory_space<vmem_shared>> -> memref<128x128xf32, #tpu.memory_space<vmem_shared>>
        %dma_start3A_73 = arith.constant 0 : i32
        %dma_start3A_74 = tpu.memref_slice %arg11[%add3A_69, %dma_start3A_73] : memref<10240x128xf32, #tpu.memory_space<vmem_shared>> -> memref<128x128xf32, #tpu.memory_space<vmem_shared>>
        tpu.enqueue_dma source(%arg8 : memref<128x128xf32, #tpu.memory_space<vmem>>) target(%dma_start3A_74 : memref<128x128xf32, #tpu.memory_space<vmem_shared>>) target_semaphore(%run_scoped3A_70 : memref<!tpu.dma_semaphore, #tpu.memory_space<semaphore_mem>>)
        %dma_wait3A_75 = arith.constant 0 : i32
        %dma_wait3A_76 = tpu.memref_slice %arg11[%add3A_69, %dma_wait3A_75] : memref<10240x128xf32, #tpu.memory_space<vmem_shared>> -> memref<128x128xf32, #tpu.memory_space<vmem_shared>>
        %dma_wait3A_77 = arith.constant 0 : i32
        %dma_wait3A_78 = tpu.memref_slice %arg11[%add3A_69, %dma_wait3A_77] : memref<10240x128xf32, #tpu.memory_space<vmem_shared>> -> memref<128x128xf32, #tpu.memory_space<vmem_shared>>
        tpu.wait_dma2 semaphore(%run_scoped3A_70 : memref<!tpu.dma_semaphore, #tpu.memory_space<semaphore_mem>>) src(%arg8 : memref<128x128xf32, #tpu.memory_space<vmem>>) dst(%dma_wait3A_78 : memref<128x128xf32, #tpu.memory_space<vmem_shared>>)
        tpu.yield
      }) : () -> ()
    }
    %scan3A_11 = arith.constant 5 : i32
    %barrier3A = arith.constant 0 : index
    tpu.barrier barrier_id(%barrier3A)
    %run_scoped3A = arith.constant 0 : i32
    "tpu.region"() ({
      %run_scoped3A_62 = tpu.sem_alloc : memref<!tpu.dma_semaphore, #tpu.memory_space<semaphore_mem>>
      %dma_start3A_63 = arith.constant 0 : i32
      %dma_start3A_64 = arith.constant 0 : i32
      %dma_start3A_65 = tpu.memref_slice %arg3[%run_scoped3A, %add3A, %dma_start3A_63, %dma_start3A_64] : memref<2x32x80x128xi32, #tpu.memory_space<hbm>> -> memref<1x1x40x128xi32, #tpu.memory_space<hbm>>
      %dma_start3A_66 = tpu.memref_squeeze %dma_start3A_65 : memref<1x1x40x128xi32, #tpu.memory_space<hbm>> -> memref<40x128xi32, #tpu.memory_space<hbm>>
      %dma_start3A_67 = arith.constant 0 : i32
      %dma_start3A_68 = arith.constant 0 : i32
      %dma_start3A_69 = tpu.memref_slice %arg3[%run_scoped3A, %add3A, %dma_start3A_67, %dma_start3A_68] : memref<2x32x80x128xi32, #tpu.memory_space<hbm>> -> memref<1x1x40x128xi32, #tpu.memory_space<hbm>>
      %dma_start3A_70 = tpu.memref_squeeze %dma_start3A_69 : memref<1x1x40x128xi32, #tpu.memory_space<hbm>> -> memref<40x128xi32, #tpu.memory_space<hbm>>
      tpu.enqueue_dma source(%dma_start3A_70 : memref<40x128xi32, #tpu.memory_space<hbm>>) target(%arg5 : memref<40x128xi32, #tpu.memory_space<vmem>>) target_semaphore(%run_scoped3A_62 : memref<!tpu.dma_semaphore, #tpu.memory_space<semaphore_mem>>)
      %dma_wait3A_71 = arith.constant 0 : i32
      %dma_wait3A_72 = arith.constant 0 : i32
      %dma_wait3A_73 = tpu.memref_slice %arg3[%run_scoped3A, %add3A, %dma_wait3A_71, %dma_wait3A_72] : memref<2x32x80x128xi32, #tpu.memory_space<hbm>> -> memref<1x1x40x128xi32, #tpu.memory_space<hbm>>
      %dma_wait3A_74 = tpu.memref_squeeze %dma_wait3A_73 : memref<1x1x40x128xi32, #tpu.memory_space<hbm>> -> memref<40x128xi32, #tpu.memory_space<hbm>>
      %dma_wait3A_75 = arith.constant 0 : i32
      %dma_wait3A_76 = arith.constant 0 : i32
      %dma_wait3A_77 = tpu.memref_slice %arg3[%run_scoped3A, %add3A, %dma_wait3A_75, %dma_wait3A_76] : memref<2x32x80x128xi32, #tpu.memory_space<hbm>> -> memref<1x1x40x128xi32, #tpu.memory_space<hbm>>
      %dma_wait3A_78 = tpu.memref_squeeze %dma_wait3A_77 : memref<1x1x40x128xi32, #tpu.memory_space<hbm>> -> memref<40x128xi32, #tpu.memory_space<hbm>>
      tpu.wait_dma2 semaphore(%run_scoped3A_62 : memref<!tpu.dma_semaphore, #tpu.memory_space<semaphore_mem>>) src(%dma_wait3A_78 : memref<40x128xi32, #tpu.memory_space<hbm>>) dst(%arg5 : memref<40x128xi32, #tpu.memory_space<vmem>>)
      tpu.yield
    }) : () -> ()
    %run_scoped3A_12 = arith.constant 1 : i32
    "tpu.region"() ({
      %run_scoped3A_62 = tpu.sem_alloc : memref<!tpu.dma_semaphore, #tpu.memory_space<semaphore_mem>>
      %dma_start3A_63 = arith.constant 0 : i32
      %dma_start3A_64 = arith.constant 0 : i32
      %dma_start3A_65 = tpu.memref_slice %arg3[%run_scoped3A_12, %add3A, %dma_start3A_63, %dma_start3A_64] : memref<2x32x80x128xi32, #tpu.memory_space<hbm>> -> memref<1x1x40x128xi32, #tpu.memory_space<hbm>>
      %dma_start3A_66 = tpu.memref_squeeze %dma_start3A_65 : memref<1x1x40x128xi32, #tpu.memory_space<hbm>> -> memref<40x128xi32, #tpu.memory_space<hbm>>
      %dma_start3A_67 = arith.constant 0 : i32
      %dma_start3A_68 = arith.constant 0 : i32
      %dma_start3A_69 = tpu.memref_slice %arg3[%run_scoped3A_12, %add3A, %dma_start3A_67, %dma_start3A_68] : memref<2x32x80x128xi32, #tpu.memory_space<hbm>> -> memref<1x1x40x128xi32, #tpu.memory_space<hbm>>
      %dma_start3A_70 = tpu.memref_squeeze %dma_start3A_69 : memref<1x1x40x128xi32, #tpu.memory_space<hbm>> -> memref<40x128xi32, #tpu.memory_space<hbm>>
      tpu.enqueue_dma source(%dma_start3A_70 : memref<40x128xi32, #tpu.memory_space<hbm>>) target(%arg6 : memref<40x128xi32, #tpu.memory_space<vmem>>) target_semaphore(%run_scoped3A_62 : memref<!tpu.dma_semaphore, #tpu.memory_space<semaphore_mem>>)
      %dma_wait3A_71 = arith.constant 0 : i32
      %dma_wait3A_72 = arith.constant 0 : i32
      %dma_wait3A_73 = tpu.memref_slice %arg3[%run_scoped3A_12, %add3A, %dma_wait3A_71, %dma_wait3A_72] : memref<2x32x80x128xi32, #tpu.memory_space<hbm>> -> memref<1x1x40x128xi32, #tpu.memory_space<hbm>>
      %dma_wait3A_74 = tpu.memref_squeeze %dma_wait3A_73 : memref<1x1x40x128xi32, #tpu.memory_space<hbm>> -> memref<40x128xi32, #tpu.memory_space<hbm>>
      %dma_wait3A_75 = arith.constant 0 : i32
      %dma_wait3A_76 = arith.constant 0 : i32
      %dma_wait3A_77 = tpu.memref_slice %arg3[%run_scoped3A_12, %add3A, %dma_wait3A_75, %dma_wait3A_76] : memref<2x32x80x128xi32, #tpu.memory_space<hbm>> -> memref<1x1x40x128xi32, #tpu.memory_space<hbm>>
      %dma_wait3A_78 = tpu.memref_squeeze %dma_wait3A_77 : memref<1x1x40x128xi32, #tpu.memory_space<hbm>> -> memref<40x128xi32, #tpu.memory_space<hbm>>
      tpu.wait_dma2 semaphore(%run_scoped3A_62 : memref<!tpu.dma_semaphore, #tpu.memory_space<semaphore_mem>>) src(%dma_wait3A_78 : memref<40x128xi32, #tpu.memory_space<hbm>>) dst(%arg6 : memref<40x128xi32, #tpu.memory_space<vmem>>)
      tpu.yield
    }) : () -> ()
    %dma_start3A = arith.constant 0 : i32
    %dma_start3A_13 = arith.constant 0 : i32
    %dma_start3A_14 = arith.constant 0 : i32
    %dma_start3A_15 = arith.constant 0 : i32
    %dma_start3A_16 = tpu.memref_slice %arg7[%dma_start3A_13, %dma_start3A_14, %dma_start3A_15] : memref<2x128x64xi32, #tpu.memory_space<vmem>> -> memref<1x128x64xi32, #tpu.memory_space<vmem>>
    %dma_start3A_17 = tpu.memref_squeeze %dma_start3A_16 : memref<1x128x64xi32, #tpu.memory_space<vmem>> -> memref<128x64xi32, #tpu.memory_space<vmem>>
    %dma_start3A_18 = arith.constant 0 : i32
    %dma_start3A_19 = tpu.memref_slice %arg5[%dma_start3A, %dma_start3A_18] : memref<40x128xi32, #tpu.memory_space<vmem>> -> memref<1x128xi32, #tpu.memory_space<vmem>>
    %dma_start3A_20 = tpu.memref_squeeze %dma_start3A_19 : memref<1x128xi32, #tpu.memory_space<vmem>> -> memref<128xi32, #tpu.memory_space<vmem>>
    %dma_start3A_21 = arith.constant 0 : i32
    %dma_start3A_22 = arith.constant 0 : i32
    %dma_start3A_23 = tpu.memref_slice %arg2[%dma_start3A_21, %dma_start3A_22] : memref<10000x64xi32, #tpu.memory_space<hbm>> -> memref<10000x64xi32, #tpu.memory_space<hbm>>
    tpu.enqueue_indirect_dma source(%dma_start3A_23 : memref<10000x64xi32, #tpu.memory_space<hbm>>) target(%dma_start3A_17 : memref<128x64xi32, #tpu.memory_space<vmem>>) offsets(%dma_start3A_20 : memref<128xi32, #tpu.memory_space<vmem>>) semaphore(%arg9 : memref<!tpu.dma_semaphore, #tpu.memory_space<semaphore_mem>>)
    %scan3A_24 = arith.constant 0 : i32
    %scan3A_25 = arith.constant 40 : i32
    %scan3A_26 = arith.addi %scan3A_24, %scan3A_25 : i32
    %scan3A_27 = arith.constant 1 : i32
    scf.for %scan3A_62 = %scan3A_24 to %scan3A_26 step %scan3A_27  : i32 {
      %mul3A_63 = arith.constant 1 : i32
      %mul3A_64 = arith.muli %scan3A_62, %mul3A_63 : i32
      %add3A_65 = arith.constant 0 : i32
      %add3A_66 = arith.addi %add3A_65, %mul3A_64 : i32
      %and3A = arith.constant 1 : i32
      %and3A_67 = arith.andi %add3A_66, %and3A : i32
      %dma_wait3A_68 = arith.constant 0 : i32
      %dma_wait3A_69 = arith.constant 0 : i32
      %dma_wait3A_70 = tpu.memref_slice %arg7[%and3A_67, %dma_wait3A_68, %dma_wait3A_69] : memref<2x128x64xi32, #tpu.memory_space<vmem>> -> memref<1x128x64xi32, #tpu.memory_space<vmem>>
      %dma_wait3A_71 = tpu.memref_squeeze %dma_wait3A_70 : memref<1x128x64xi32, #tpu.memory_space<vmem>> -> memref<128x64xi32, #tpu.memory_space<vmem>>
      %dma_wait3A_72 = arith.constant 0 : i32
      %dma_wait3A_73 = tpu.memref_slice %arg5[%add3A_66, %dma_wait3A_72] : memref<40x128xi32, #tpu.memory_space<vmem>> -> memref<1x128xi32, #tpu.memory_space<vmem>>
      %dma_wait3A_74 = tpu.memref_squeeze %dma_wait3A_73 : memref<1x128xi32, #tpu.memory_space<vmem>> -> memref<128xi32, #tpu.memory_space<vmem>>
      %dma_wait3A_75 = arith.constant 0 : i32
      %dma_wait3A_76 = arith.constant 0 : i32
      %dma_wait3A_77 = tpu.memref_slice %arg2[%dma_wait3A_75, %dma_wait3A_76] : memref<10000x64xi32, #tpu.memory_space<hbm>> -> memref<10000x64xi32, #tpu.memory_space<hbm>>
      tpu.wait_indirect_dma semaphore(%arg9 : memref<!tpu.dma_semaphore, #tpu.memory_space<semaphore_mem>>) src(%dma_wait3A_77 : memref<10000x64xi32, #tpu.memory_space<hbm>>) dst(%dma_wait3A_71 : memref<128x64xi32, #tpu.memory_space<vmem>>)
      %add3A_78 = arith.constant 1 : i32
      %add3A_79 = arith.addi %add3A_66, %add3A_78 : i32
      %lt3A = arith.constant 40 : i32
      %lt3A_80 = arith.cmpi slt, %add3A_79, %lt3A : i32
      %convert_element_type3A = arith.extui %lt3A_80 : i1 to i32
      %cond3A = arith.constant 0 : i32
      %cond3A_81 = arith.cmpi ne, %convert_element_type3A, %cond3A : i32
      scf.if %cond3A_81 {
        %add3A_97 = arith.constant 1 : i32
        %add3A_98 = arith.addi %add3A_66, %add3A_97 : i32
        %sub3A = arith.constant 1 : i32
        %sub3A_99 = arith.subi %sub3A, %and3A_67 : i32
        %dma_start3A_100 = arith.constant 0 : i32
        %dma_start3A_101 = arith.constant 0 : i32
        %dma_start3A_102 = tpu.memref_slice %arg7[%sub3A_99, %dma_start3A_100, %dma_start3A_101] : memref<2x128x64xi32, #tpu.memory_space<vmem>> -> memref<1x128x64xi32, #tpu.memory_space<vmem>>
        %dma_start3A_103 = tpu.memref_squeeze %dma_start3A_102 : memref<1x128x64xi32, #tpu.memory_space<vmem>> -> memref<128x64xi32, #tpu.memory_space<vmem>>
        %dma_start3A_104 = arith.constant 0 : i32
        %dma_start3A_105 = tpu.memref_slice %arg5[%add3A_98, %dma_start3A_104] : memref<40x128xi32, #tpu.memory_space<vmem>> -> memref<1x128xi32, #tpu.memory_space<vmem>>
        %dma_start3A_106 = tpu.memref_squeeze %dma_start3A_105 : memref<1x128xi32, #tpu.memory_space<vmem>> -> memref<128xi32, #tpu.memory_space<vmem>>
        %dma_start3A_107 = arith.constant 0 : i32
        %dma_start3A_108 = arith.constant 0 : i32
        %dma_start3A_109 = tpu.memref_slice %arg2[%dma_start3A_107, %dma_start3A_108] : memref<10000x64xi32, #tpu.memory_space<hbm>> -> memref<10000x64xi32, #tpu.memory_space<hbm>>
        tpu.enqueue_indirect_dma source(%dma_start3A_109 : memref<10000x64xi32, #tpu.memory_space<hbm>>) target(%dma_start3A_103 : memref<128x64xi32, #tpu.memory_space<vmem>>) offsets(%dma_start3A_106 : memref<128xi32, #tpu.memory_space<vmem>>) semaphore(%arg9 : memref<!tpu.dma_semaphore, #tpu.memory_space<semaphore_mem>>)
      } else {
      }
      %gt3A = arith.constant 0 : i32
      %gt3A_82 = arith.cmpi sgt, %add3A_66, %gt3A : i32
      %convert_element_type3A_83 = arith.extui %gt3A_82 : i1 to i32
      %cond3A_84 = arith.constant 0 : i32
      %cond3A_85 = arith.cmpi ne, %convert_element_type3A_83, %cond3A_84 : i32
      scf.if %cond3A_85 {
        %sub3A = arith.constant 1 : i32
        %sub3A_97 = arith.subi %add3A_66, %sub3A : i32
        %dma_wait3A_98 = arith.constant 0 : i32
        %dma_wait3A_99 = tpu.memref_slice %arg6[%sub3A_97, %dma_wait3A_98] : memref<40x128xi32, #tpu.memory_space<vmem>> -> memref<1x128xi32, #tpu.memory_space<vmem>>
        %dma_wait3A_100 = tpu.memref_squeeze %dma_wait3A_99 : memref<1x128xi32, #tpu.memory_space<vmem>> -> memref<128xi32, #tpu.memory_space<vmem>>
        %dma_wait3A_101 = arith.constant 0 : i32
        %dma_wait3A_102 = arith.constant 0 : i32
        %dma_wait3A_103 = tpu.memref_slice %arg11[%dma_wait3A_101, %dma_wait3A_102] : memref<10240x128xf32, #tpu.memory_space<vmem_shared>> -> memref<10240x128xf32, #tpu.memory_space<vmem_shared>>
        tpu.wait_indirect_dma semaphore(%arg10 : memref<!tpu.dma_semaphore, #tpu.memory_space<semaphore_mem>>) src(%arg8 : memref<128x128xf32, #tpu.memory_space<vmem>>) dst(%dma_wait3A_103 : memref<10240x128xf32, #tpu.memory_space<vmem_shared>>)
      } else {
      }
      %scan3A_86 = arith.constant 0 : i32
      %scan3A_87 = arith.constant 128 : i32
      %scan3A_88 = arith.addi %scan3A_86, %scan3A_87 : i32
      %scan3A_89 = arith.constant 1 : i32
      scf.for %scan3A_97 = %scan3A_86 to %scan3A_88 step %scan3A_89  : i32 {
        %mul3A_98 = arith.constant 1 : i32
        %mul3A_99 = arith.muli %scan3A_97, %mul3A_98 : i32
        %add3A_100 = arith.constant 0 : i32
        %add3A_101 = arith.addi %add3A_100, %mul3A_99 : i32
        %get3A = arith.index_cast %and3A_67 : i32 to index
        %get3A_102 = arith.index_cast %add3A_101 : i32 to index
        %get3A_103 = arith.constant 0 : index
        %get3A_104 = tpu.vector_load %arg7[%get3A, %get3A_102, %get3A_103] {strides = array<i32>} : memref<2x128x64xi32, #tpu.memory_space<vmem>>, vector<16xi32>,
        %shift_left3A = arith.constant 16 : i32
        %shift_left3A_105 = vector.broadcast %shift_left3A : i32 to vector<16xi32>
        %shift_left3A_106 = arith.shli %get3A_104, %shift_left3A_105 : vector<16xi32>
        %bitcast3A = vector.bitcast %shift_left3A_106 : vector<16xi32> to vector<16xf32>
        %and3A_107 = arith.constant -65536 : i32
        %and3A_108 = vector.broadcast %and3A_107 : i32 to vector<16xi32>
        %and3A_109 = arith.andi %get3A_104, %and3A_108 : vector<16xi32>
        %bitcast3A_110 = vector.bitcast %and3A_109 : vector<16xi32> to vector<16xf32>
        %swap3A = arith.index_cast %add3A_101 : i32 to index
        %swap3A_111 = arith.constant 0 : index
        %swap3A_112 = tpu.vector_load %arg8[%swap3A, %swap3A_111] {strides = array<i32>} : memref<128x128xf32, #tpu.memory_space<vmem>>, vector<16xf32>,
        tpu.vector_store %arg8[%swap3A, %swap3A_111], %bitcast3A {strides = array<i32>} : memref<128x128xf32, #tpu.memory_space<vmem>>, vector<16xf32>,
        %swap3A_113 = arith.index_cast %add3A_101 : i32 to index
        %swap3A_114 = arith.constant 16 : index
        %swap3A_115 = tpu.vector_load %arg8[%swap3A_113, %swap3A_114] {strides = array<i32>} : memref<128x128xf32, #tpu.memory_space<vmem>>, vector<16xf32>,
        tpu.vector_store %arg8[%swap3A_113, %swap3A_114], %bitcast3A_110 {strides = array<i32>} : memref<128x128xf32, #tpu.memory_space<vmem>>, vector<16xf32>,
        %get3A_116 = arith.index_cast %and3A_67 : i32 to index
        %get3A_117 = arith.index_cast %add3A_101 : i32 to index
        %get3A_118 = arith.constant 16 : index
        %get3A_119 = tpu.vector_load %arg7[%get3A_116, %get3A_117, %get3A_118] {strides = array<i32>} : memref<2x128x64xi32, #tpu.memory_space<vmem>>, vector<16xi32>,
        %shift_left3A_120 = arith.constant 16 : i32
        %shift_left3A_121 = vector.broadcast %shift_left3A_120 : i32 to vector<16xi32>
        %shift_left3A_122 = arith.shli %get3A_119, %shift_left3A_121 : vector<16xi32>
        %bitcast3A_123 = vector.bitcast %shift_left3A_122 : vector<16xi32> to vector<16xf32>
        %and3A_124 = arith.constant -65536 : i32
        %and3A_125 = vector.broadcast %and3A_124 : i32 to vector<16xi32>
        %and3A_126 = arith.andi %get3A_119, %and3A_125 : vector<16xi32>
        %bitcast3A_127 = vector.bitcast %and3A_126 : vector<16xi32> to vector<16xf32>
        %swap3A_128 = arith.index_cast %add3A_101 : i32 to index
        %swap3A_129 = arith.constant 32 : index
        %swap3A_130 = tpu.vector_load %arg8[%swap3A_128, %swap3A_129] {strides = array<i32>} : memref<128x128xf32, #tpu.memory_space<vmem>>, vector<16xf32>,
        tpu.vector_store %arg8[%swap3A_128, %swap3A_129], %bitcast3A_123 {strides = array<i32>} : memref<128x128xf32, #tpu.memory_space<vmem>>, vector<16xf32>,
        %swap3A_131 = arith.index_cast %add3A_101 : i32 to index
        %swap3A_132 = arith.constant 48 : index
        %swap3A_133 = tpu.vector_load %arg8[%swap3A_131, %swap3A_132] {strides = array<i32>} : memref<128x128xf32, #tpu.memory_space<vmem>>, vector<16xf32>,
        tpu.vector_store %arg8[%swap3A_131, %swap3A_132], %bitcast3A_127 {strides = array<i32>} : memref<128x128xf32, #tpu.memory_space<vmem>>, vector<16xf32>,
        %get3A_134 = arith.index_cast %and3A_67 : i32 to index
        %get3A_135 = arith.index_cast %add3A_101 : i32 to index
        %get3A_136 = arith.constant 32 : index
        %get3A_137 = tpu.vector_load %arg7[%get3A_134, %get3A_135, %get3A_136] {strides = array<i32>} : memref<2x128x64xi32, #tpu.memory_space<vmem>>, vector<16xi32>,
        %shift_left3A_138 = arith.constant 16 : i32
        %shift_left3A_139 = vector.broadcast %shift_left3A_138 : i32 to vector<16xi32>
        %shift_left3A_140 = arith.shli %get3A_137, %shift_left3A_139 : vector<16xi32>
        %bitcast3A_141 = vector.bitcast %shift_left3A_140 : vector<16xi32> to vector<16xf32>
        %and3A_142 = arith.constant -65536 : i32
        %and3A_143 = vector.broadcast %and3A_142 : i32 to vector<16xi32>
        %and3A_144 = arith.andi %get3A_137, %and3A_143 : vector<16xi32>
        %bitcast3A_145 = vector.bitcast %and3A_144 : vector<16xi32> to vector<16xf32>
        %swap3A_146 = arith.index_cast %add3A_101 : i32 to index
        %swap3A_147 = arith.constant 64 : index
        %swap3A_148 = tpu.vector_load %arg8[%swap3A_146, %swap3A_147] {strides = array<i32>} : memref<128x128xf32, #tpu.memory_space<vmem>>, vector<16xf32>,
        tpu.vector_store %arg8[%swap3A_146, %swap3A_147], %bitcast3A_141 {strides = array<i32>} : memref<128x128xf32, #tpu.memory_space<vmem>>, vector<16xf32>,
        %swap3A_149 = arith.index_cast %add3A_101 : i32 to index
        %swap3A_150 = arith.constant 80 : index
        %swap3A_151 = tpu.vector_load %arg8[%swap3A_149, %swap3A_150] {strides = array<i32>} : memref<128x128xf32, #tpu.memory_space<vmem>>, vector<16xf32>,
        tpu.vector_store %arg8[%swap3A_149, %swap3A_150], %bitcast3A_145 {strides = array<i32>} : memref<128x128xf32, #tpu.memory_space<vmem>>, vector<16xf32>,
        %get3A_152 = arith.index_cast %and3A_67 : i32 to index
        %get3A_153 = arith.index_cast %add3A_101 : i32 to index
        %get3A_154 = arith.constant 48 : index
        %get3A_155 = tpu.vector_load %arg7[%get3A_152, %get3A_153, %get3A_154] {strides = array<i32>} : memref<2x128x64xi32, #tpu.memory_space<vmem>>, vector<16xi32>,
        %shift_left3A_156 = arith.constant 16 : i32
        %shift_left3A_157 = vector.broadcast %shift_left3A_156 : i32 to vector<16xi32>
        %shift_left3A_158 = arith.shli %get3A_155, %shift_left3A_157 : vector<16xi32>
        %bitcast3A_159 = vector.bitcast %shift_left3A_158 : vector<16xi32> to vector<16xf32>
        %and3A_160 = arith.constant -65536 : i32
        %and3A_161 = vector.broadcast %and3A_160 : i32 to vector<16xi32>
        %and3A_162 = arith.andi %get3A_155, %and3A_161 : vector<16xi32>
        %bitcast3A_163 = vector.bitcast %and3A_162 : vector<16xi32> to vector<16xf32>
        %swap3A_164 = arith.index_cast %add3A_101 : i32 to index
        %swap3A_165 = arith.constant 96 : index
        %swap3A_166 = tpu.vector_load %arg8[%swap3A_164, %swap3A_165] {strides = array<i32>} : memref<128x128xf32, #tpu.memory_space<vmem>>, vector<16xf32>,
        tpu.vector_store %arg8[%swap3A_164, %swap3A_165], %bitcast3A_159 {strides = array<i32>} : memref<128x128xf32, #tpu.memory_space<vmem>>, vector<16xf32>,
        %swap3A_167 = arith.index_cast %add3A_101 : i32 to index
        %swap3A_168 = arith.constant 112 : index
        %swap3A_169 = tpu.vector_load %arg8[%swap3A_167, %swap3A_168] {strides = array<i32>} : memref<128x128xf32, #tpu.memory_space<vmem>>, vector<16xf32>,
        tpu.vector_store %arg8[%swap3A_167, %swap3A_168], %bitcast3A_163 {strides = array<i32>} : memref<128x128xf32, #tpu.memory_space<vmem>>, vector<16xf32>,
      }
      %scan3A_90 = arith.constant 128 : i32
      %dma_start3A_91 = arith.constant 0 : i32
      %dma_start3A_92 = tpu.memref_slice %arg6[%add3A_66, %dma_start3A_91] : memref<40x128xi32, #tpu.memory_space<vmem>> -> memref<1x128xi32, #tpu.memory_space<vmem>>
      %dma_start3A_93 = tpu.memref_squeeze %dma_start3A_92 : memref<1x128xi32, #tpu.memory_space<vmem>> -> memref<128xi32, #tpu.memory_space<vmem>>
      %dma_start3A_94 = arith.constant 0 : i32
      %dma_start3A_95 = arith.constant 0 : i32
      %dma_start3A_96 = tpu.memref_slice %arg11[%dma_start3A_94, %dma_start3A_95] : memref<10240x128xf32, #tpu.memory_space<vmem_shared>> -> memref<10240x128xf32, #tpu.memory_space<vmem_shared>>
      tpu.enqueue_indirect_dma source(%arg8 : memref<128x128xf32, #tpu.memory_space<vmem>>) target(%dma_start3A_96 : memref<10240x128xf32, #tpu.memory_space<vmem_shared>>) offsets(%dma_start3A_93 : memref<128xi32, #tpu.memory_space<vmem>>) semaphore(%arg10 : memref<!tpu.dma_semaphore, #tpu.memory_space<semaphore_mem>>) {add = true}
    }
    %scan3A_28 = arith.constant 40 : i32
    %dma_wait3A = arith.constant 39 : i32
    %dma_wait3A_29 = arith.constant 0 : i32
    %dma_wait3A_30 = tpu.memref_slice %arg6[%dma_wait3A, %dma_wait3A_29] : memref<40x128xi32, #tpu.memory_space<vmem>> -> memref<1x128xi32, #tpu.memory_space<vmem>>
    %dma_wait3A_31 = tpu.memref_squeeze %dma_wait3A_30 : memref<1x128xi32, #tpu.memory_space<vmem>> -> memref<128xi32, #tpu.memory_space<vmem>>
    %dma_wait3A_32 = arith.constant 0 : i32
    %dma_wait3A_33 = arith.constant 0 : i32
    %dma_wait3A_34 = tpu.memref_slice %arg11[%dma_wait3A_32, %dma_wait3A_33] : memref<10240x128xf32, #tpu.memory_space<vmem_shared>> -> memref<10240x128xf32, #tpu.memory_space<vmem_shared>>
    tpu.wait_indirect_dma semaphore(%arg10 : memref<!tpu.dma_semaphore, #tpu.memory_space<semaphore_mem>>) src(%arg8 : memref<128x128xf32, #tpu.memory_space<vmem>>) dst(%dma_wait3A_34 : memref<10240x128xf32, #tpu.memory_space<vmem_shared>>)
    %run_scoped3A_35 = arith.constant 0 : i32
    "tpu.region"() ({
      %run_scoped3A_62 = tpu.sem_alloc : memref<!tpu.dma_semaphore, #tpu.memory_space<semaphore_mem>>
      %dma_start3A_63 = arith.constant 40 : i32
      %dma_start3A_64 = arith.constant 0 : i32
      %dma_start3A_65 = tpu.memref_slice %arg3[%run_scoped3A_35, %add3A, %dma_start3A_63, %dma_start3A_64] : memref<2x32x80x128xi32, #tpu.memory_space<hbm>> -> memref<1x1x40x128xi32, #tpu.memory_space<hbm>>
      %dma_start3A_66 = tpu.memref_squeeze %dma_start3A_65 : memref<1x1x40x128xi32, #tpu.memory_space<hbm>> -> memref<40x128xi32, #tpu.memory_space<hbm>>
      %dma_start3A_67 = arith.constant 40 : i32
      %dma_start3A_68 = arith.constant 0 : i32
      %dma_start3A_69 = tpu.memref_slice %arg3[%run_scoped3A_35, %add3A, %dma_start3A_67, %dma_start3A_68] : memref<2x32x80x128xi32, #tpu.memory_space<hbm>> -> memref<1x1x40x128xi32, #tpu.memory_space<hbm>>
      %dma_start3A_70 = tpu.memref_squeeze %dma_start3A_69 : memref<1x1x40x128xi32, #tpu.memory_space<hbm>> -> memref<40x128xi32, #tpu.memory_space<hbm>>
      tpu.enqueue_dma source(%dma_start3A_70 : memref<40x128xi32, #tpu.memory_space<hbm>>) target(%arg5 : memref<40x128xi32, #tpu.memory_space<vmem>>) target_semaphore(%run_scoped3A_62 : memref<!tpu.dma_semaphore, #tpu.memory_space<semaphore_mem>>)
      %dma_wait3A_71 = arith.constant 40 : i32
      %dma_wait3A_72 = arith.constant 0 : i32
      %dma_wait3A_73 = tpu.memref_slice %arg3[%run_scoped3A_35, %add3A, %dma_wait3A_71, %dma_wait3A_72] : memref<2x32x80x128xi32, #tpu.memory_space<hbm>> -> memref<1x1x40x128xi32, #tpu.memory_space<hbm>>
      %dma_wait3A_74 = tpu.memref_squeeze %dma_wait3A_73 : memref<1x1x40x128xi32, #tpu.memory_space<hbm>> -> memref<40x128xi32, #tpu.memory_space<hbm>>
      %dma_wait3A_75 = arith.constant 40 : i32
      %dma_wait3A_76 = arith.constant 0 : i32
      %dma_wait3A_77 = tpu.memref_slice %arg3[%run_scoped3A_35, %add3A, %dma_wait3A_75, %dma_wait3A_76] : memref<2x32x80x128xi32, #tpu.memory_space<hbm>> -> memref<1x1x40x128xi32, #tpu.memory_space<hbm>>
      %dma_wait3A_78 = tpu.memref_squeeze %dma_wait3A_77 : memref<1x1x40x128xi32, #tpu.memory_space<hbm>> -> memref<40x128xi32, #tpu.memory_space<hbm>>
      tpu.wait_dma2 semaphore(%run_scoped3A_62 : memref<!tpu.dma_semaphore, #tpu.memory_space<semaphore_mem>>) src(%dma_wait3A_78 : memref<40x128xi32, #tpu.memory_space<hbm>>) dst(%arg5 : memref<40x128xi32, #tpu.memory_space<vmem>>)
      tpu.yield
    }) : () -> ()
    %run_scoped3A_36 = arith.constant 1 : i32
    "tpu.region"() ({
      %run_scoped3A_62 = tpu.sem_alloc : memref<!tpu.dma_semaphore, #tpu.memory_space<semaphore_mem>>
      %dma_start3A_63 = arith.constant 40 : i32
      %dma_start3A_64 = arith.constant 0 : i32
      %dma_start3A_65 = tpu.memref_slice %arg3[%run_scoped3A_36, %add3A, %dma_start3A_63, %dma_start3A_64] : memref<2x32x80x128xi32, #tpu.memory_space<hbm>> -> memref<1x1x40x128xi32, #tpu.memory_space<hbm>>
      %dma_start3A_66 = tpu.memref_squeeze %dma_start3A_65 : memref<1x1x40x128xi32, #tpu.memory_space<hbm>> -> memref<40x128xi32, #tpu.memory_space<hbm>>
      %dma_start3A_67 = arith.constant 40 : i32
      %dma_start3A_68 = arith.constant 0 : i32
      %dma_start3A_69 = tpu.memref_slice %arg3[%run_scoped3A_36, %add3A, %dma_start3A_67, %dma_start3A_68] : memref<2x32x80x128xi32, #tpu.memory_space<hbm>> -> memref<1x1x40x128xi32, #tpu.memory_space<hbm>>
      %dma_start3A_70 = tpu.memref_squeeze %dma_start3A_69 : memref<1x1x40x128xi32, #tpu.memory_space<hbm>> -> memref<40x128xi32, #tpu.memory_space<hbm>>
      tpu.enqueue_dma source(%dma_start3A_70 : memref<40x128xi32, #tpu.memory_space<hbm>>) target(%arg6 : memref<40x128xi32, #tpu.memory_space<vmem>>) target_semaphore(%run_scoped3A_62 : memref<!tpu.dma_semaphore, #tpu.memory_space<semaphore_mem>>)
      %dma_wait3A_71 = arith.constant 40 : i32
      %dma_wait3A_72 = arith.constant 0 : i32
      %dma_wait3A_73 = tpu.memref_slice %arg3[%run_scoped3A_36, %add3A, %dma_wait3A_71, %dma_wait3A_72] : memref<2x32x80x128xi32, #tpu.memory_space<hbm>> -> memref<1x1x40x128xi32, #tpu.memory_space<hbm>>
      %dma_wait3A_74 = tpu.memref_squeeze %dma_wait3A_73 : memref<1x1x40x128xi32, #tpu.memory_space<hbm>> -> memref<40x128xi32, #tpu.memory_space<hbm>>
      %dma_wait3A_75 = arith.constant 40 : i32
      %dma_wait3A_76 = arith.constant 0 : i32
      %dma_wait3A_77 = tpu.memref_slice %arg3[%run_scoped3A_36, %add3A, %dma_wait3A_75, %dma_wait3A_76] : memref<2x32x80x128xi32, #tpu.memory_space<hbm>> -> memref<1x1x40x128xi32, #tpu.memory_space<hbm>>
      %dma_wait3A_78 = tpu.memref_squeeze %dma_wait3A_77 : memref<1x1x40x128xi32, #tpu.memory_space<hbm>> -> memref<40x128xi32, #tpu.memory_space<hbm>>
      tpu.wait_dma2 semaphore(%run_scoped3A_62 : memref<!tpu.dma_semaphore, #tpu.memory_space<semaphore_mem>>) src(%dma_wait3A_78 : memref<40x128xi32, #tpu.memory_space<hbm>>) dst(%arg6 : memref<40x128xi32, #tpu.memory_space<vmem>>)
      tpu.yield
    }) : () -> ()
    %dma_start3A_37 = arith.constant 0 : i32
    %dma_start3A_38 = arith.constant 0 : i32
    %dma_start3A_39 = arith.constant 0 : i32
    %dma_start3A_40 = arith.constant 0 : i32
    %dma_start3A_41 = tpu.memref_slice %arg7[%dma_start3A_38, %dma_start3A_39, %dma_start3A_40] : memref<2x128x64xi32, #tpu.memory_space<vmem>> -> memref<1x128x64xi32, #tpu.memory_space<vmem>>
    %dma_start3A_42 = tpu.memref_squeeze %dma_start3A_41 : memref<1x128x64xi32, #tpu.memory_space<vmem>> -> memref<128x64xi32, #tpu.memory_space<vmem>>
    %dma_start3A_43 = arith.constant 0 : i32
    %dma_start3A_44 = tpu.memref_slice %arg5[%dma_start3A_37, %dma_start3A_43] : memref<40x128xi32, #tpu.memory_space<vmem>> -> memref<1x128xi32, #tpu.memory_space<vmem>>
    %dma_start3A_45 = tpu.memref_squeeze %dma_start3A_44 : memref<1x128xi32, #tpu.memory_space<vmem>> -> memref<128xi32, #tpu.memory_space<vmem>>
    %dma_start3A_46 = arith.constant 0 : i32
    %dma_start3A_47 = arith.constant 0 : i32
    %dma_start3A_48 = tpu.memref_slice %arg2[%dma_start3A_46, %dma_start3A_47] : memref<10000x64xi32, #tpu.memory_space<hbm>> -> memref<10000x64xi32, #tpu.memory_space<hbm>>
    tpu.enqueue_indirect_dma source(%dma_start3A_48 : memref<10000x64xi32, #tpu.memory_space<hbm>>) target(%dma_start3A_42 : memref<128x64xi32, #tpu.memory_space<vmem>>) offsets(%dma_start3A_45 : memref<128xi32, #tpu.memory_space<vmem>>) semaphore(%arg9 : memref<!tpu.dma_semaphore, #tpu.memory_space<semaphore_mem>>)
    %scan3A_49 = arith.constant 0 : i32
    %scan3A_50 = arith.constant 40 : i32
    %scan3A_51 = arith.addi %scan3A_49, %scan3A_50 : i32
    %scan3A_52 = arith.constant 1 : i32
    scf.for %scan3A_62 = %scan3A_49 to %scan3A_51 step %scan3A_52  : i32 {
      %mul3A_63 = arith.constant 1 : i32
      %mul3A_64 = arith.muli %scan3A_62, %mul3A_63 : i32
      %add3A_65 = arith.constant 0 : i32
      %add3A_66 = arith.addi %add3A_65, %mul3A_64 : i32
      %and3A = arith.constant 1 : i32
      %and3A_67 = arith.andi %add3A_66, %and3A : i32
      %dma_wait3A_68 = arith.constant 0 : i32
      %dma_wait3A_69 = arith.constant 0 : i32
      %dma_wait3A_70 = tpu.memref_slice %arg7[%and3A_67, %dma_wait3A_68, %dma_wait3A_69] : memref<2x128x64xi32, #tpu.memory_space<vmem>> -> memref<1x128x64xi32, #tpu.memory_space<vmem>>
      %dma_wait3A_71 = tpu.memref_squeeze %dma_wait3A_70 : memref<1x128x64xi32, #tpu.memory_space<vmem>> -> memref<128x64xi32, #tpu.memory_space<vmem>>
      %dma_wait3A_72 = arith.constant 0 : i32
      %dma_wait3A_73 = tpu.memref_slice %arg5[%add3A_66, %dma_wait3A_72] : memref<40x128xi32, #tpu.memory_space<vmem>> -> memref<1x128xi32, #tpu.memory_space<vmem>>
      %dma_wait3A_74 = tpu.memref_squeeze %dma_wait3A_73 : memref<1x128xi32, #tpu.memory_space<vmem>> -> memref<128xi32, #tpu.memory_space<vmem>>
      %dma_wait3A_75 = arith.constant 0 : i32
      %dma_wait3A_76 = arith.constant 0 : i32
      %dma_wait3A_77 = tpu.memref_slice %arg2[%dma_wait3A_75, %dma_wait3A_76] : memref<10000x64xi32, #tpu.memory_space<hbm>> -> memref<10000x64xi32, #tpu.memory_space<hbm>>
      tpu.wait_indirect_dma semaphore(%arg9 : memref<!tpu.dma_semaphore, #tpu.memory_space<semaphore_mem>>) src(%dma_wait3A_77 : memref<10000x64xi32, #tpu.memory_space<hbm>>) dst(%dma_wait3A_71 : memref<128x64xi32, #tpu.memory_space<vmem>>)
      %add3A_78 = arith.constant 1 : i32
      %add3A_79 = arith.addi %add3A_66, %add3A_78 : i32
      %lt3A = arith.constant 40 : i32
      %lt3A_80 = arith.cmpi slt, %add3A_79, %lt3A : i32
      %convert_element_type3A = arith.extui %lt3A_80 : i1 to i32
      %cond3A = arith.constant 0 : i32
      %cond3A_81 = arith.cmpi ne, %convert_element_type3A, %cond3A : i32
      scf.if %cond3A_81 {
        %add3A_97 = arith.constant 1 : i32
        %add3A_98 = arith.addi %add3A_66, %add3A_97 : i32
        %sub3A = arith.constant 1 : i32
        %sub3A_99 = arith.subi %sub3A, %and3A_67 : i32
        %dma_start3A_100 = arith.constant 0 : i32
        %dma_start3A_101 = arith.constant 0 : i32
        %dma_start3A_102 = tpu.memref_slice %arg7[%sub3A_99, %dma_start3A_100, %dma_start3A_101] : memref<2x128x64xi32, #tpu.memory_space<vmem>> -> memref<1x128x64xi32, #tpu.memory_space<vmem>>
        %dma_start3A_103 = tpu.memref_squeeze %dma_start3A_102 : memref<1x128x64xi32, #tpu.memory_space<vmem>> -> memref<128x64xi32, #tpu.memory_space<vmem>>
        %dma_start3A_104 = arith.constant 0 : i32
        %dma_start3A_105 = tpu.memref_slice %arg5[%add3A_98, %dma_start3A_104] : memref<40x128xi32, #tpu.memory_space<vmem>> -> memref<1x128xi32, #tpu.memory_space<vmem>>
        %dma_start3A_106 = tpu.memref_squeeze %dma_start3A_105 : memref<1x128xi32, #tpu.memory_space<vmem>> -> memref<128xi32, #tpu.memory_space<vmem>>
        %dma_start3A_107 = arith.constant 0 : i32
        %dma_start3A_108 = arith.constant 0 : i32
        %dma_start3A_109 = tpu.memref_slice %arg2[%dma_start3A_107, %dma_start3A_108] : memref<10000x64xi32, #tpu.memory_space<hbm>> -> memref<10000x64xi32, #tpu.memory_space<hbm>>
        tpu.enqueue_indirect_dma source(%dma_start3A_109 : memref<10000x64xi32, #tpu.memory_space<hbm>>) target(%dma_start3A_103 : memref<128x64xi32, #tpu.memory_space<vmem>>) offsets(%dma_start3A_106 : memref<128xi32, #tpu.memory_space<vmem>>) semaphore(%arg9 : memref<!tpu.dma_semaphore, #tpu.memory_space<semaphore_mem>>)
      } else {
      }
      %gt3A = arith.constant 0 : i32
      %gt3A_82 = arith.cmpi sgt, %add3A_66, %gt3A : i32
      %convert_element_type3A_83 = arith.extui %gt3A_82 : i1 to i32
      %cond3A_84 = arith.constant 0 : i32
      %cond3A_85 = arith.cmpi ne, %convert_element_type3A_83, %cond3A_84 : i32
      scf.if %cond3A_85 {
        %sub3A = arith.constant 1 : i32
        %sub3A_97 = arith.subi %add3A_66, %sub3A : i32
        %dma_wait3A_98 = arith.constant 0 : i32
        %dma_wait3A_99 = tpu.memref_slice %arg6[%sub3A_97, %dma_wait3A_98] : memref<40x128xi32, #tpu.memory_space<vmem>> -> memref<1x128xi32, #tpu.memory_space<vmem>>
        %dma_wait3A_100 = tpu.memref_squeeze %dma_wait3A_99 : memref<1x128xi32, #tpu.memory_space<vmem>> -> memref<128xi32, #tpu.memory_space<vmem>>
        %dma_wait3A_101 = arith.constant 0 : i32
        %dma_wait3A_102 = arith.constant 0 : i32
        %dma_wait3A_103 = tpu.memref_slice %arg11[%dma_wait3A_101, %dma_wait3A_102] : memref<10240x128xf32, #tpu.memory_space<vmem_shared>> -> memref<10240x128xf32, #tpu.memory_space<vmem_shared>>
        tpu.wait_indirect_dma semaphore(%arg10 : memref<!tpu.dma_semaphore, #tpu.memory_space<semaphore_mem>>) src(%arg8 : memref<128x128xf32, #tpu.memory_space<vmem>>) dst(%dma_wait3A_103 : memref<10240x128xf32, #tpu.memory_space<vmem_shared>>)
      } else {
      }
      %scan3A_86 = arith.constant 0 : i32
      %scan3A_87 = arith.constant 128 : i32
      %scan3A_88 = arith.addi %scan3A_86, %scan3A_87 : i32
      %scan3A_89 = arith.constant 1 : i32
      scf.for %scan3A_97 = %scan3A_86 to %scan3A_88 step %scan3A_89  : i32 {
        %mul3A_98 = arith.constant 1 : i32
        %mul3A_99 = arith.muli %scan3A_97, %mul3A_98 : i32
        %add3A_100 = arith.constant 0 : i32
        %add3A_101 = arith.addi %add3A_100, %mul3A_99 : i32
        %get3A = arith.index_cast %and3A_67 : i32 to index
        %get3A_102 = arith.index_cast %add3A_101 : i32 to index
        %get3A_103 = arith.constant 0 : index
        %get3A_104 = tpu.vector_load %arg7[%get3A, %get3A_102, %get3A_103] {strides = array<i32>} : memref<2x128x64xi32, #tpu.memory_space<vmem>>, vector<16xi32>,
        %shift_left3A = arith.constant 16 : i32
        %shift_left3A_105 = vector.broadcast %shift_left3A : i32 to vector<16xi32>
        %shift_left3A_106 = arith.shli %get3A_104, %shift_left3A_105 : vector<16xi32>
        %bitcast3A = vector.bitcast %shift_left3A_106 : vector<16xi32> to vector<16xf32>
        %and3A_107 = arith.constant -65536 : i32
        %and3A_108 = vector.broadcast %and3A_107 : i32 to vector<16xi32>
        %and3A_109 = arith.andi %get3A_104, %and3A_108 : vector<16xi32>
        %bitcast3A_110 = vector.bitcast %and3A_109 : vector<16xi32> to vector<16xf32>
        %swap3A = arith.index_cast %add3A_101 : i32 to index
        %swap3A_111 = arith.constant 0 : index
        %swap3A_112 = tpu.vector_load %arg8[%swap3A, %swap3A_111] {strides = array<i32>} : memref<128x128xf32, #tpu.memory_space<vmem>>, vector<16xf32>,
        tpu.vector_store %arg8[%swap3A, %swap3A_111], %bitcast3A {strides = array<i32>} : memref<128x128xf32, #tpu.memory_space<vmem>>, vector<16xf32>,
        %swap3A_113 = arith.index_cast %add3A_101 : i32 to index
        %swap3A_114 = arith.constant 16 : index
        %swap3A_115 = tpu.vector_load %arg8[%swap3A_113, %swap3A_114] {strides = array<i32>} : memref<128x128xf32, #tpu.memory_space<vmem>>, vector<16xf32>,
        tpu.vector_store %arg8[%swap3A_113, %swap3A_114], %bitcast3A_110 {strides = array<i32>} : memref<128x128xf32, #tpu.memory_space<vmem>>, vector<16xf32>,
        %get3A_116 = arith.index_cast %and3A_67 : i32 to index
        %get3A_117 = arith.index_cast %add3A_101 : i32 to index
        %get3A_118 = arith.constant 16 : index
        %get3A_119 = tpu.vector_load %arg7[%get3A_116, %get3A_117, %get3A_118] {strides = array<i32>} : memref<2x128x64xi32, #tpu.memory_space<vmem>>, vector<16xi32>,
        %shift_left3A_120 = arith.constant 16 : i32
        %shift_left3A_121 = vector.broadcast %shift_left3A_120 : i32 to vector<16xi32>
        %shift_left3A_122 = arith.shli %get3A_119, %shift_left3A_121 : vector<16xi32>
        %bitcast3A_123 = vector.bitcast %shift_left3A_122 : vector<16xi32> to vector<16xf32>
        %and3A_124 = arith.constant -65536 : i32
        %and3A_125 = vector.broadcast %and3A_124 : i32 to vector<16xi32>
        %and3A_126 = arith.andi %get3A_119, %and3A_125 : vector<16xi32>
        %bitcast3A_127 = vector.bitcast %and3A_126 : vector<16xi32> to vector<16xf32>
        %swap3A_128 = arith.index_cast %add3A_101 : i32 to index
        %swap3A_129 = arith.constant 32 : index
        %swap3A_130 = tpu.vector_load %arg8[%swap3A_128, %swap3A_129] {strides = array<i32>} : memref<128x128xf32, #tpu.memory_space<vmem>>, vector<16xf32>,
        tpu.vector_store %arg8[%swap3A_128, %swap3A_129], %bitcast3A_123 {strides = array<i32>} : memref<128x128xf32, #tpu.memory_space<vmem>>, vector<16xf32>,
        %swap3A_131 = arith.index_cast %add3A_101 : i32 to index
        %swap3A_132 = arith.constant 48 : index
        %swap3A_133 = tpu.vector_load %arg8[%swap3A_131, %swap3A_132] {strides = array<i32>} : memref<128x128xf32, #tpu.memory_space<vmem>>, vector<16xf32>,
        tpu.vector_store %arg8[%swap3A_131, %swap3A_132], %bitcast3A_127 {strides = array<i32>} : memref<128x128xf32, #tpu.memory_space<vmem>>, vector<16xf32>,
        %get3A_134 = arith.index_cast %and3A_67 : i32 to index
        %get3A_135 = arith.index_cast %add3A_101 : i32 to index
        %get3A_136 = arith.constant 32 : index
        %get3A_137 = tpu.vector_load %arg7[%get3A_134, %get3A_135, %get3A_136] {strides = array<i32>} : memref<2x128x64xi32, #tpu.memory_space<vmem>>, vector<16xi32>,
        %shift_left3A_138 = arith.constant 16 : i32
        %shift_left3A_139 = vector.broadcast %shift_left3A_138 : i32 to vector<16xi32>
        %shift_left3A_140 = arith.shli %get3A_137, %shift_left3A_139 : vector<16xi32>
        %bitcast3A_141 = vector.bitcast %shift_left3A_140 : vector<16xi32> to vector<16xf32>
        %and3A_142 = arith.constant -65536 : i32
        %and3A_143 = vector.broadcast %and3A_142 : i32 to vector<16xi32>
        %and3A_144 = arith.andi %get3A_137, %and3A_143 : vector<16xi32>
        %bitcast3A_145 = vector.bitcast %and3A_144 : vector<16xi32> to vector<16xf32>
        %swap3A_146 = arith.index_cast %add3A_101 : i32 to index
        %swap3A_147 = arith.constant 64 : index
        %swap3A_148 = tpu.vector_load %arg8[%swap3A_146, %swap3A_147] {strides = array<i32>} : memref<128x128xf32, #tpu.memory_space<vmem>>, vector<16xf32>,
        tpu.vector_store %arg8[%swap3A_146, %swap3A_147], %bitcast3A_141 {strides = array<i32>} : memref<128x128xf32, #tpu.memory_space<vmem>>, vector<16xf32>,
        %swap3A_149 = arith.index_cast %add3A_101 : i32 to index
        %swap3A_150 = arith.constant 80 : index
        %swap3A_151 = tpu.vector_load %arg8[%swap3A_149, %swap3A_150] {strides = array<i32>} : memref<128x128xf32, #tpu.memory_space<vmem>>, vector<16xf32>,
        tpu.vector_store %arg8[%swap3A_149, %swap3A_150], %bitcast3A_145 {strides = array<i32>} : memref<128x128xf32, #tpu.memory_space<vmem>>, vector<16xf32>,
        %get3A_152 = arith.index_cast %and3A_67 : i32 to index
        %get3A_153 = arith.index_cast %add3A_101 : i32 to index
        %get3A_154 = arith.constant 48 : index
        %get3A_155 = tpu.vector_load %arg7[%get3A_152, %get3A_153, %get3A_154] {strides = array<i32>} : memref<2x128x64xi32, #tpu.memory_space<vmem>>, vector<16xi32>,
        %shift_left3A_156 = arith.constant 16 : i32
        %shift_left3A_157 = vector.broadcast %shift_left3A_156 : i32 to vector<16xi32>
        %shift_left3A_158 = arith.shli %get3A_155, %shift_left3A_157 : vector<16xi32>
        %bitcast3A_159 = vector.bitcast %shift_left3A_158 : vector<16xi32> to vector<16xf32>
        %and3A_160 = arith.constant -65536 : i32
        %and3A_161 = vector.broadcast %and3A_160 : i32 to vector<16xi32>
        %and3A_162 = arith.andi %get3A_155, %and3A_161 : vector<16xi32>
        %bitcast3A_163 = vector.bitcast %and3A_162 : vector<16xi32> to vector<16xf32>
        %swap3A_164 = arith.index_cast %add3A_101 : i32 to index
        %swap3A_165 = arith.constant 96 : index
        %swap3A_166 = tpu.vector_load %arg8[%swap3A_164, %swap3A_165] {strides = array<i32>} : memref<128x128xf32, #tpu.memory_space<vmem>>, vector<16xf32>,
        tpu.vector_store %arg8[%swap3A_164, %swap3A_165], %bitcast3A_159 {strides = array<i32>} : memref<128x128xf32, #tpu.memory_space<vmem>>, vector<16xf32>,
        %swap3A_167 = arith.index_cast %add3A_101 : i32 to index
        %swap3A_168 = arith.constant 112 : index
        %swap3A_169 = tpu.vector_load %arg8[%swap3A_167, %swap3A_168] {strides = array<i32>} : memref<128x128xf32, #tpu.memory_space<vmem>>, vector<16xf32>,
        tpu.vector_store %arg8[%swap3A_167, %swap3A_168], %bitcast3A_163 {strides = array<i32>} : memref<128x128xf32, #tpu.memory_space<vmem>>, vector<16xf32>,
      }
      %scan3A_90 = arith.constant 128 : i32
      %dma_start3A_91 = arith.constant 0 : i32
      %dma_start3A_92 = tpu.memref_slice %arg6[%add3A_66, %dma_start3A_91] : memref<40x128xi32, #tpu.memory_space<vmem>> -> memref<1x128xi32, #tpu.memory_space<vmem>>
      %dma_start3A_93 = tpu.memref_squeeze %dma_start3A_92 : memref<1x128xi32, #tpu.memory_space<vmem>> -> memref<128xi32, #tpu.memory_space<vmem>>
      %dma_start3A_94 = arith.constant 0 : i32
      %dma_start3A_95 = arith.constant 0 : i32
      %dma_start3A_96 = tpu.memref_slice %arg11[%dma_start3A_94, %dma_start3A_95] : memref<10240x128xf32, #tpu.memory_space<vmem_shared>> -> memref<10240x128xf32, #tpu.memory_space<vmem_shared>>
      tpu.enqueue_indirect_dma source(%arg8 : memref<128x128xf32, #tpu.memory_space<vmem>>) target(%dma_start3A_96 : memref<10240x128xf32, #tpu.memory_space<vmem_shared>>) offsets(%dma_start3A_93 : memref<128xi32, #tpu.memory_space<vmem>>) semaphore(%arg10 : memref<!tpu.dma_semaphore, #tpu.memory_space<semaphore_mem>>) {add = true}
    }
    %scan3A_53 = arith.constant 40 : i32
    %dma_wait3A_54 = arith.constant 39 : i32
    %dma_wait3A_55 = arith.constant 0 : i32
    %dma_wait3A_56 = tpu.memref_slice %arg6[%dma_wait3A_54, %dma_wait3A_55] : memref<40x128xi32, #tpu.memory_space<vmem>> -> memref<1x128xi32, #tpu.memory_space<vmem>>
    %dma_wait3A_57 = tpu.memref_squeeze %dma_wait3A_56 : memref<1x128xi32, #tpu.memory_space<vmem>> -> memref<128xi32, #tpu.memory_space<vmem>>
    %dma_wait3A_58 = arith.constant 0 : i32
    %dma_wait3A_59 = arith.constant 0 : i32
    %dma_wait3A_60 = tpu.memref_slice %arg11[%dma_wait3A_58, %dma_wait3A_59] : memref<10240x128xf32, #tpu.memory_space<vmem_shared>> -> memref<10240x128xf32, #tpu.memory_space<vmem_shared>>
    tpu.wait_indirect_dma semaphore(%arg10 : memref<!tpu.dma_semaphore, #tpu.memory_space<semaphore_mem>>) src(%arg8 : memref<128x128xf32, #tpu.memory_space<vmem>>) dst(%dma_wait3A_60 : memref<10240x128xf32, #tpu.memory_space<vmem_shared>>)
    %barrier3A_61 = arith.constant 0 : index
    tpu.barrier barrier_id(%barrier3A_61)
    "tpu.region"() ({
      %run_scoped3A_62 = tpu.sem_alloc : memref<!tpu.dma_semaphore, #tpu.memory_space<semaphore_mem>>
      %dma_start3A_63 = arith.constant 0 : i32
      %dma_start3A_64 = tpu.memref_slice %arg4[%arg0, %mul3A_6, %dma_start3A_63] : memref<2x10240x128xf32, #tpu.memory_space<hbm>> -> memref<1x640x128xf32, #tpu.memory_space<hbm>>
      %dma_start3A_65 = tpu.memref_squeeze %dma_start3A_64 : memref<1x640x128xf32, #tpu.memory_space<hbm>> -> memref<640x128xf32, #tpu.memory_space<hbm>>
      %dma_start3A_66 = arith.constant 0 : i32
      %dma_start3A_67 = tpu.memref_slice %arg11[%mul3A_6, %dma_start3A_66] : memref<10240x128xf32, #tpu.memory_space<vmem_shared>> -> memref<640x128xf32, #tpu.memory_space<vmem_shared>>
      tpu.enqueue_dma source(%dma_start3A_67 : memref<640x128xf32, #tpu.memory_space<vmem_shared>>) target(%dma_start3A_65 : memref<640x128xf32, #tpu.memory_space<hbm>>) target_semaphore(%run_scoped3A_62 : memref<!tpu.dma_semaphore, #tpu.memory_space<semaphore_mem>>)
      %dma_wait3A_68 = arith.constant 0 : i32
      %dma_wait3A_69 = tpu.memref_slice %arg4[%arg0, %mul3A_6, %dma_wait3A_68] : memref<2x10240x128xf32, #tpu.memory_space<hbm>> -> memref<1x640x128xf32, #tpu.memory_space<hbm>>
      %dma_wait3A_70 = tpu.memref_squeeze %dma_wait3A_69 : memref<1x640x128xf32, #tpu.memory_space<hbm>> -> memref<640x128xf32, #tpu.memory_space<hbm>>
      %dma_wait3A_71 = arith.constant 0 : i32
      %dma_wait3A_72 = tpu.memref_slice %arg11[%mul3A_6, %dma_wait3A_71] : memref<10240x128xf32, #tpu.memory_space<vmem_shared>> -> memref<640x128xf32, #tpu.memory_space<vmem_shared>>
      tpu.wait_dma2 semaphore(%run_scoped3A_62 : memref<!tpu.dma_semaphore, #tpu.memory_space<semaphore_mem>>) src(%dma_wait3A_72 : memref<640x128xf32, #tpu.memory_space<vmem_shared>>) dst(%dma_wait3A_70 : memref<640x128xf32, #tpu.memory_space<hbm>>)
      tpu.yield
    }) : () -> ()
    return
  }
}

#map = affine_map<(d0, d1) -> (0, 0)>
#map1 = affine_map<(d0, d1) -> (0, 0, 0, 0)>
#map2 = affine_map<(d0, d1) -> (0, 0, 0)>
module attributes {stable_mosaic.version = 14 : i64} {
  func.func @k(%arg0: i32, %arg1: i32, %arg2: memref<10000x16xf32, #tpu.memory_space<hbm>>, %arg3: memref<2x32x80x128xi32, #tpu.memory_space<hbm>>, %arg4: memref<2x10240x16xf32, #tpu.memory_space<hbm>>, %arg5: memref<80x128xi32, #tpu.memory_space<vmem>>, %arg6: memref<80x128xi32, #tpu.memory_space<vmem>>, %arg7: memref<128x16xf32, #tpu.memory_space<vmem>>, %arg8: memref<10000x16xf32, #tpu.memory_space<vmem_shared>>, %arg9: memref<10240x16xf32, #tpu.memory_space<vmem_shared>>) attributes {dimension_semantics = [#tpu.dimension_semantics<core_parallel>, #tpu.dimension_semantics<subcore_parallel>], iteration_bounds = array<i64: 2, 16>, scalar_prefetch = 0 : i64, scratch_operands = 5 : i64, tpu.core_type = #tpu.core_type<sc_vector_subcore>, window_params = [{transform_indices = #map}, {transform_indices = #map1}, {transform_indices = #map2}]} {
    %mul3A = arith.constant 16 : i32
    %mul3A_0 = arith.muli %arg0, %mul3A : i32
    %add3A = arith.addi %mul3A_0, %arg1 : i32
    %scan3A = arith.constant 0 : i32
    %scan3A_1 = arith.constant 128 : i32
    %scan3A_2 = arith.addi %scan3A, %scan3A_1 : i32
    %scan3A_3 = arith.constant 1 : i32
    scf.for %scan3A_23 = %scan3A to %scan3A_2 step %scan3A_3  : i32 {
      %mul3A_24 = arith.constant 1 : i32
      %mul3A_25 = arith.muli %scan3A_23, %mul3A_24 : i32
      %add3A_26 = arith.constant 0 : i32
      %add3A_27 = arith.addi %add3A_26, %mul3A_25 : i32
      %broadcast_in_dim3A = arith.constant 0.000000e+00 : f32
      %broadcast_in_dim3A_28 = vector.broadcast %broadcast_in_dim3A : f32 to vector<16xf32>
      %jit3A = arith.constant 1 : i32
      %div3A = arith.divsi %add3A_27, %jit3A : i32
      %sign3A = arith.constant 0 : i32
      %sign3A_29 = arith.cmpi sgt, %add3A_27, %sign3A : i32
      %sign3A_30 = arith.extui %sign3A_29 : i1 to i32
      %sign3A_31 = arith.constant 0 : i32
      %sign3A_32 = arith.cmpi slt, %add3A_27, %sign3A_31 : i32
      %sign3A_33 = arith.extui %sign3A_32 : i1 to i32
      %sign3A_34 = arith.subi %sign3A_30, %sign3A_33 : i32
      %sign3A_35 = arith.constant 0 : i32
      %sign3A_36 = arith.cmpi sgt, %jit3A, %sign3A_35 : i32
      %sign3A_37 = arith.extui %sign3A_36 : i1 to i32
      %sign3A_38 = arith.constant 0 : i32
      %sign3A_39 = arith.cmpi slt, %jit3A, %sign3A_38 : i32
      %sign3A_40 = arith.extui %sign3A_39 : i1 to i32
      %sign3A_41 = arith.subi %sign3A_37, %sign3A_40 : i32
      %ne3A = arith.cmpi ne, %sign3A_34, %sign3A_41 : i32
      %rem3A = arith.remsi %add3A_27, %jit3A : i32
      %ne3A_42 = arith.constant 0 : i32
      %ne3A_43 = arith.cmpi ne, %rem3A, %ne3A_42 : i32
      %and3A = arith.andi %ne3A, %ne3A_43 : i1
      %sub3A = arith.constant 1 : i32
      %sub3A_44 = arith.subi %div3A, %sub3A : i32
      %select_n3A = arith.select %and3A, %sub3A_44, %div3A : i32
      %jit3A_45 = arith.constant 1 : i32
      %eq3A = arith.constant 0 : i32
      %eq3A_46 = arith.cmpi eq, %jit3A_45, %eq3A : i32
      %jit3A_47 = arith.constant 1 : i32
      %select_n3A_48 = arith.select %eq3A_46, %jit3A_47, %jit3A_45 : i32
      %rem3A_49 = arith.remsi %add3A_27, %select_n3A_48 : i32
      %ne3A_50 = arith.constant 0 : i32
      %ne3A_51 = arith.cmpi ne, %rem3A_49, %ne3A_50 : i32
      %lt3A = arith.constant 0 : i32
      %lt3A_52 = arith.cmpi slt, %rem3A_49, %lt3A : i32
      %lt3A_53 = arith.constant 0 : i32
      %lt3A_54 = arith.cmpi slt, %select_n3A_48, %lt3A_53 : i32
      %ne3A_55 = arith.xori %lt3A_52, %lt3A_54 : i1
      %and3A_56 = arith.andi %ne3A_55, %ne3A_51 : i1
      %add3A_57 = arith.addi %rem3A_49, %select_n3A_48 : i32
      %select_n3A_58 = arith.select %and3A_56, %add3A_57, %rem3A_49 : i32
      %mul3A_59 = arith.constant 16 : i32
      %mul3A_60 = arith.muli %select_n3A_58, %mul3A_59 : i32
      %swap3A = arith.index_cast %select_n3A : i32 to index
      %swap3A_61 = arith.index_cast %mul3A_60 : i32 to index
      %swap3A_62 = tpu.vector_load %arg7[%swap3A, %swap3A_61] {strides = array<i32>} : memref<128x16xf32, #tpu.memory_space<vmem>>, vector<1x16xf32>,
      %swap3A_63 = vector.shape_cast %swap3A_62 : vector<1x16xf32> to vector<16xf32>
      %swap3A_64 = vector.shape_cast %broadcast_in_dim3A_28 : vector<16xf32> to vector<1x16xf32>
      tpu.vector_store %arg7[%swap3A, %swap3A_61], %swap3A_64 {strides = array<i32>} : memref<128x16xf32, #tpu.memory_space<vmem>>, vector<1x16xf32>,
    }
    %scan3A_4 = arith.constant 128 : i32
    %mul3A_5 = arith.constant 640 : i32
    %mul3A_6 = arith.muli %arg1, %mul3A_5 : i32
    %scan3A_7 = arith.constant 0 : i32
    %scan3A_8 = arith.constant 5 : i32
    %scan3A_9 = arith.addi %scan3A_7, %scan3A_8 : i32
    %scan3A_10 = arith.constant 1 : i32
    scf.for %scan3A_23 = %scan3A_7 to %scan3A_9 step %scan3A_10  : i32 {
      %mul3A_24 = arith.constant 1 : i32
      %mul3A_25 = arith.muli %scan3A_23, %mul3A_24 : i32
      %add3A_26 = arith.constant 0 : i32
      %add3A_27 = arith.addi %add3A_26, %mul3A_25 : i32
      %mul3A_28 = arith.constant 128 : i32
      %mul3A_29 = arith.muli %add3A_27, %mul3A_28 : i32
      %add3A_30 = arith.addi %mul3A_6, %mul3A_29 : i32
      "tpu.region"() ({
        %run_scoped3A_31 = tpu.sem_alloc : memref<!tpu.dma_semaphore, #tpu.memory_space<semaphore_mem>>
        %dma_start3A = arith.constant 0 : i32
        %dma_start3A_32 = tpu.memref_slice %arg9[%add3A_30, %dma_start3A] : memref<10240x16xf32, #tpu.memory_space<vmem_shared>> -> memref<128x16xf32, #tpu.memory_space<vmem_shared>>
        %dma_start3A_33 = arith.constant 0 : i32
        %dma_start3A_34 = tpu.memref_slice %arg9[%add3A_30, %dma_start3A_33] : memref<10240x16xf32, #tpu.memory_space<vmem_shared>> -> memref<128x16xf32, #tpu.memory_space<vmem_shared>>
        tpu.enqueue_dma source(%arg7 : memref<128x16xf32, #tpu.memory_space<vmem>>) target(%dma_start3A_34 : memref<128x16xf32, #tpu.memory_space<vmem_shared>>) target_semaphore(%run_scoped3A_31 : memref<!tpu.dma_semaphore, #tpu.memory_space<semaphore_mem>>)
        %dma_wait3A = arith.constant 0 : i32
        %dma_wait3A_35 = tpu.memref_slice %arg9[%add3A_30, %dma_wait3A] : memref<10240x16xf32, #tpu.memory_space<vmem_shared>> -> memref<128x16xf32, #tpu.memory_space<vmem_shared>>
        %dma_wait3A_36 = arith.constant 0 : i32
        %dma_wait3A_37 = tpu.memref_slice %arg9[%add3A_30, %dma_wait3A_36] : memref<10240x16xf32, #tpu.memory_space<vmem_shared>> -> memref<128x16xf32, #tpu.memory_space<vmem_shared>>
        tpu.wait_dma2 semaphore(%run_scoped3A_31 : memref<!tpu.dma_semaphore, #tpu.memory_space<semaphore_mem>>) src(%arg7 : memref<128x16xf32, #tpu.memory_space<vmem>>) dst(%dma_wait3A_37 : memref<128x16xf32, #tpu.memory_space<vmem_shared>>)
        tpu.yield
      }) : () -> ()
    }
    %scan3A_11 = arith.constant 5 : i32
    %mul3A_12 = arith.constant 625 : i32
    %mul3A_13 = arith.muli %arg1, %mul3A_12 : i32
    %mul3A_14 = arith.constant 625 : i32
    %mul3A_15 = arith.muli %arg1, %mul3A_14 : i32
    "tpu.region"() ({
      %run_scoped3A_23 = tpu.sem_alloc : memref<!tpu.dma_semaphore, #tpu.memory_space<semaphore_mem>>
      %dma_start3A = arith.constant 0 : i32
      %dma_start3A_24 = tpu.memref_slice %arg8[%mul3A_15, %dma_start3A] : memref<10000x16xf32, #tpu.memory_space<vmem_shared>> -> memref<625x16xf32, #tpu.memory_space<vmem_shared>>
      %dma_start3A_25 = arith.constant 0 : i32
      %dma_start3A_26 = tpu.memref_slice %arg2[%mul3A_13, %dma_start3A_25] : memref<10000x16xf32, #tpu.memory_space<hbm>> -> memref<625x16xf32, #tpu.memory_space<hbm>>
      tpu.enqueue_dma source(%dma_start3A_26 : memref<625x16xf32, #tpu.memory_space<hbm>>) target(%dma_start3A_24 : memref<625x16xf32, #tpu.memory_space<vmem_shared>>) target_semaphore(%run_scoped3A_23 : memref<!tpu.dma_semaphore, #tpu.memory_space<semaphore_mem>>)
      %dma_wait3A = arith.constant 0 : i32
      %dma_wait3A_27 = tpu.memref_slice %arg8[%mul3A_15, %dma_wait3A] : memref<10000x16xf32, #tpu.memory_space<vmem_shared>> -> memref<625x16xf32, #tpu.memory_space<vmem_shared>>
      %dma_wait3A_28 = arith.constant 0 : i32
      %dma_wait3A_29 = tpu.memref_slice %arg2[%mul3A_13, %dma_wait3A_28] : memref<10000x16xf32, #tpu.memory_space<hbm>> -> memref<625x16xf32, #tpu.memory_space<hbm>>
      tpu.wait_dma2 semaphore(%run_scoped3A_23 : memref<!tpu.dma_semaphore, #tpu.memory_space<semaphore_mem>>) src(%dma_wait3A_29 : memref<625x16xf32, #tpu.memory_space<hbm>>) dst(%dma_wait3A_27 : memref<625x16xf32, #tpu.memory_space<vmem_shared>>)
      tpu.yield
    }) : () -> ()
    %run_scoped3A = arith.constant 0 : i32
    "tpu.region"() ({
      %run_scoped3A_23 = tpu.sem_alloc : memref<!tpu.dma_semaphore, #tpu.memory_space<semaphore_mem>>
      %dma_start3A = arith.constant 0 : i32
      %dma_start3A_24 = arith.constant 0 : i32
      %dma_start3A_25 = tpu.memref_slice %arg3[%run_scoped3A, %add3A, %dma_start3A, %dma_start3A_24] : memref<2x32x80x128xi32, #tpu.memory_space<hbm>> -> memref<1x1x80x128xi32, #tpu.memory_space<hbm>>
      %dma_start3A_26 = tpu.memref_squeeze %dma_start3A_25 : memref<1x1x80x128xi32, #tpu.memory_space<hbm>> -> memref<80x128xi32, #tpu.memory_space<hbm>>
      %dma_start3A_27 = arith.constant 0 : i32
      %dma_start3A_28 = arith.constant 0 : i32
      %dma_start3A_29 = tpu.memref_slice %arg3[%run_scoped3A, %add3A, %dma_start3A_27, %dma_start3A_28] : memref<2x32x80x128xi32, #tpu.memory_space<hbm>> -> memref<1x1x80x128xi32, #tpu.memory_space<hbm>>
      %dma_start3A_30 = tpu.memref_squeeze %dma_start3A_29 : memref<1x1x80x128xi32, #tpu.memory_space<hbm>> -> memref<80x128xi32, #tpu.memory_space<hbm>>
      tpu.enqueue_dma source(%dma_start3A_30 : memref<80x128xi32, #tpu.memory_space<hbm>>) target(%arg5 : memref<80x128xi32, #tpu.memory_space<vmem>>) target_semaphore(%run_scoped3A_23 : memref<!tpu.dma_semaphore, #tpu.memory_space<semaphore_mem>>)
      %dma_wait3A = arith.constant 0 : i32
      %dma_wait3A_31 = arith.constant 0 : i32
      %dma_wait3A_32 = tpu.memref_slice %arg3[%run_scoped3A, %add3A, %dma_wait3A, %dma_wait3A_31] : memref<2x32x80x128xi32, #tpu.memory_space<hbm>> -> memref<1x1x80x128xi32, #tpu.memory_space<hbm>>
      %dma_wait3A_33 = tpu.memref_squeeze %dma_wait3A_32 : memref<1x1x80x128xi32, #tpu.memory_space<hbm>> -> memref<80x128xi32, #tpu.memory_space<hbm>>
      %dma_wait3A_34 = arith.constant 0 : i32
      %dma_wait3A_35 = arith.constant 0 : i32
      %dma_wait3A_36 = tpu.memref_slice %arg3[%run_scoped3A, %add3A, %dma_wait3A_34, %dma_wait3A_35] : memref<2x32x80x128xi32, #tpu.memory_space<hbm>> -> memref<1x1x80x128xi32, #tpu.memory_space<hbm>>
      %dma_wait3A_37 = tpu.memref_squeeze %dma_wait3A_36 : memref<1x1x80x128xi32, #tpu.memory_space<hbm>> -> memref<80x128xi32, #tpu.memory_space<hbm>>
      tpu.wait_dma2 semaphore(%run_scoped3A_23 : memref<!tpu.dma_semaphore, #tpu.memory_space<semaphore_mem>>) src(%dma_wait3A_37 : memref<80x128xi32, #tpu.memory_space<hbm>>) dst(%arg5 : memref<80x128xi32, #tpu.memory_space<vmem>>)
      tpu.yield
    }) : () -> ()
    %run_scoped3A_16 = arith.constant 1 : i32
    "tpu.region"() ({
      %run_scoped3A_23 = tpu.sem_alloc : memref<!tpu.dma_semaphore, #tpu.memory_space<semaphore_mem>>
      %dma_start3A = arith.constant 0 : i32
      %dma_start3A_24 = arith.constant 0 : i32
      %dma_start3A_25 = tpu.memref_slice %arg3[%run_scoped3A_16, %add3A, %dma_start3A, %dma_start3A_24] : memref<2x32x80x128xi32, #tpu.memory_space<hbm>> -> memref<1x1x80x128xi32, #tpu.memory_space<hbm>>
      %dma_start3A_26 = tpu.memref_squeeze %dma_start3A_25 : memref<1x1x80x128xi32, #tpu.memory_space<hbm>> -> memref<80x128xi32, #tpu.memory_space<hbm>>
      %dma_start3A_27 = arith.constant 0 : i32
      %dma_start3A_28 = arith.constant 0 : i32
      %dma_start3A_29 = tpu.memref_slice %arg3[%run_scoped3A_16, %add3A, %dma_start3A_27, %dma_start3A_28] : memref<2x32x80x128xi32, #tpu.memory_space<hbm>> -> memref<1x1x80x128xi32, #tpu.memory_space<hbm>>
      %dma_start3A_30 = tpu.memref_squeeze %dma_start3A_29 : memref<1x1x80x128xi32, #tpu.memory_space<hbm>> -> memref<80x128xi32, #tpu.memory_space<hbm>>
      tpu.enqueue_dma source(%dma_start3A_30 : memref<80x128xi32, #tpu.memory_space<hbm>>) target(%arg6 : memref<80x128xi32, #tpu.memory_space<vmem>>) target_semaphore(%run_scoped3A_23 : memref<!tpu.dma_semaphore, #tpu.memory_space<semaphore_mem>>)
      %dma_wait3A = arith.constant 0 : i32
      %dma_wait3A_31 = arith.constant 0 : i32
      %dma_wait3A_32 = tpu.memref_slice %arg3[%run_scoped3A_16, %add3A, %dma_wait3A, %dma_wait3A_31] : memref<2x32x80x128xi32, #tpu.memory_space<hbm>> -> memref<1x1x80x128xi32, #tpu.memory_space<hbm>>
      %dma_wait3A_33 = tpu.memref_squeeze %dma_wait3A_32 : memref<1x1x80x128xi32, #tpu.memory_space<hbm>> -> memref<80x128xi32, #tpu.memory_space<hbm>>
      %dma_wait3A_34 = arith.constant 0 : i32
      %dma_wait3A_35 = arith.constant 0 : i32
      %dma_wait3A_36 = tpu.memref_slice %arg3[%run_scoped3A_16, %add3A, %dma_wait3A_34, %dma_wait3A_35] : memref<2x32x80x128xi32, #tpu.memory_space<hbm>> -> memref<1x1x80x128xi32, #tpu.memory_space<hbm>>
      %dma_wait3A_37 = tpu.memref_squeeze %dma_wait3A_36 : memref<1x1x80x128xi32, #tpu.memory_space<hbm>> -> memref<80x128xi32, #tpu.memory_space<hbm>>
      tpu.wait_dma2 semaphore(%run_scoped3A_23 : memref<!tpu.dma_semaphore, #tpu.memory_space<semaphore_mem>>) src(%dma_wait3A_37 : memref<80x128xi32, #tpu.memory_space<hbm>>) dst(%arg6 : memref<80x128xi32, #tpu.memory_space<vmem>>)
      tpu.yield
    }) : () -> ()
    %barrier3A = arith.constant 0 : index
    tpu.barrier barrier_id(%barrier3A)
    %scan3A_17 = arith.constant 0 : i32
    %scan3A_18 = arith.constant 80 : i32
    %scan3A_19 = arith.addi %scan3A_17, %scan3A_18 : i32
    %scan3A_20 = arith.constant 1 : i32
    scf.for %scan3A_23 = %scan3A_17 to %scan3A_19 step %scan3A_20  : i32 {
      %mul3A_24 = arith.constant 1 : i32
      %mul3A_25 = arith.muli %scan3A_23, %mul3A_24 : i32
      %add3A_26 = arith.constant 0 : i32
      %add3A_27 = arith.addi %add3A_26, %mul3A_25 : i32
      "tpu.region"() ({
        %run_scoped3A_28 = tpu.sem_alloc : memref<!tpu.dma_semaphore, #tpu.memory_space<semaphore_mem>>
        %dma_start3A = arith.constant 0 : i32
        %dma_start3A_29 = tpu.memref_slice %arg5[%add3A_27, %dma_start3A] : memref<80x128xi32, #tpu.memory_space<vmem>> -> memref<1x128xi32, #tpu.memory_space<vmem>>
        %dma_start3A_30 = tpu.memref_squeeze %dma_start3A_29 : memref<1x128xi32, #tpu.memory_space<vmem>> -> memref<128xi32, #tpu.memory_space<vmem>>
        %dma_start3A_31 = arith.constant 0 : i32
        %dma_start3A_32 = arith.constant 0 : i32
        %dma_start3A_33 = tpu.memref_slice %arg8[%dma_start3A_31, %dma_start3A_32] : memref<10000x16xf32, #tpu.memory_space<vmem_shared>> -> memref<10000x16xf32, #tpu.memory_space<vmem_shared>>
        tpu.enqueue_indirect_dma source(%dma_start3A_33 : memref<10000x16xf32, #tpu.memory_space<vmem_shared>>) target(%arg7 : memref<128x16xf32, #tpu.memory_space<vmem>>) offsets(%dma_start3A_30 : memref<128xi32, #tpu.memory_space<vmem>>) semaphore(%run_scoped3A_28 : memref<!tpu.dma_semaphore, #tpu.memory_space<semaphore_mem>>)
        %dma_wait3A = arith.constant 0 : i32
        %dma_wait3A_34 = tpu.memref_slice %arg5[%add3A_27, %dma_wait3A] : memref<80x128xi32, #tpu.memory_space<vmem>> -> memref<1x128xi32, #tpu.memory_space<vmem>>
        %dma_wait3A_35 = tpu.memref_squeeze %dma_wait3A_34 : memref<1x128xi32, #tpu.memory_space<vmem>> -> memref<128xi32, #tpu.memory_space<vmem>>
        %dma_wait3A_36 = arith.constant 0 : i32
        %dma_wait3A_37 = arith.constant 0 : i32
        %dma_wait3A_38 = tpu.memref_slice %arg8[%dma_wait3A_36, %dma_wait3A_37] : memref<10000x16xf32, #tpu.memory_space<vmem_shared>> -> memref<10000x16xf32, #tpu.memory_space<vmem_shared>>
        tpu.wait_indirect_dma semaphore(%run_scoped3A_28 : memref<!tpu.dma_semaphore, #tpu.memory_space<semaphore_mem>>) src(%dma_wait3A_38 : memref<10000x16xf32, #tpu.memory_space<vmem_shared>>) dst(%arg7 : memref<128x16xf32, #tpu.memory_space<vmem>>)
        tpu.yield
      }) : () -> ()
      "tpu.region"() ({
        %run_scoped3A_28 = tpu.sem_alloc : memref<!tpu.dma_semaphore, #tpu.memory_space<semaphore_mem>>
        %dma_start3A = arith.constant 0 : i32
        %dma_start3A_29 = tpu.memref_slice %arg6[%add3A_27, %dma_start3A] : memref<80x128xi32, #tpu.memory_space<vmem>> -> memref<1x128xi32, #tpu.memory_space<vmem>>
        %dma_start3A_30 = tpu.memref_squeeze %dma_start3A_29 : memref<1x128xi32, #tpu.memory_space<vmem>> -> memref<128xi32, #tpu.memory_space<vmem>>
        %dma_start3A_31 = arith.constant 0 : i32
        %dma_start3A_32 = arith.constant 0 : i32
        %dma_start3A_33 = tpu.memref_slice %arg9[%dma_start3A_31, %dma_start3A_32] : memref<10240x16xf32, #tpu.memory_space<vmem_shared>> -> memref<10240x16xf32, #tpu.memory_space<vmem_shared>>
        tpu.enqueue_indirect_dma source(%arg7 : memref<128x16xf32, #tpu.memory_space<vmem>>) target(%dma_start3A_33 : memref<10240x16xf32, #tpu.memory_space<vmem_shared>>) offsets(%dma_start3A_30 : memref<128xi32, #tpu.memory_space<vmem>>) semaphore(%run_scoped3A_28 : memref<!tpu.dma_semaphore, #tpu.memory_space<semaphore_mem>>) {add = true}
        %dma_wait3A = arith.constant 0 : i32
        %dma_wait3A_34 = tpu.memref_slice %arg6[%add3A_27, %dma_wait3A] : memref<80x128xi32, #tpu.memory_space<vmem>> -> memref<1x128xi32, #tpu.memory_space<vmem>>
        %dma_wait3A_35 = tpu.memref_squeeze %dma_wait3A_34 : memref<1x128xi32, #tpu.memory_space<vmem>> -> memref<128xi32, #tpu.memory_space<vmem>>
        %dma_wait3A_36 = arith.constant 0 : i32
        %dma_wait3A_37 = arith.constant 0 : i32
        %dma_wait3A_38 = tpu.memref_slice %arg9[%dma_wait3A_36, %dma_wait3A_37] : memref<10240x16xf32, #tpu.memory_space<vmem_shared>> -> memref<10240x16xf32, #tpu.memory_space<vmem_shared>>
        tpu.wait_indirect_dma semaphore(%run_scoped3A_28 : memref<!tpu.dma_semaphore, #tpu.memory_space<semaphore_mem>>) src(%arg7 : memref<128x16xf32, #tpu.memory_space<vmem>>) dst(%dma_wait3A_38 : memref<10240x16xf32, #tpu.memory_space<vmem_shared>>)
        tpu.yield
      }) : () -> ()
    }
    %scan3A_21 = arith.constant 80 : i32
    %barrier3A_22 = arith.constant 0 : index
    tpu.barrier barrier_id(%barrier3A_22)
    "tpu.region"() ({
      %run_scoped3A_23 = tpu.sem_alloc : memref<!tpu.dma_semaphore, #tpu.memory_space<semaphore_mem>>
      %dma_start3A = arith.constant 0 : i32
      %dma_start3A_24 = tpu.memref_slice %arg4[%arg0, %mul3A_6, %dma_start3A] : memref<2x10240x16xf32, #tpu.memory_space<hbm>> -> memref<1x640x16xf32, #tpu.memory_space<hbm>>
      %dma_start3A_25 = tpu.memref_squeeze %dma_start3A_24 : memref<1x640x16xf32, #tpu.memory_space<hbm>> -> memref<640x16xf32, #tpu.memory_space<hbm>>
      %dma_start3A_26 = arith.constant 0 : i32
      %dma_start3A_27 = tpu.memref_slice %arg9[%mul3A_6, %dma_start3A_26] : memref<10240x16xf32, #tpu.memory_space<vmem_shared>> -> memref<640x16xf32, #tpu.memory_space<vmem_shared>>
      tpu.enqueue_dma source(%dma_start3A_27 : memref<640x16xf32, #tpu.memory_space<vmem_shared>>) target(%dma_start3A_25 : memref<640x16xf32, #tpu.memory_space<hbm>>) target_semaphore(%run_scoped3A_23 : memref<!tpu.dma_semaphore, #tpu.memory_space<semaphore_mem>>)
      %dma_wait3A = arith.constant 0 : i32
      %dma_wait3A_28 = tpu.memref_slice %arg4[%arg0, %mul3A_6, %dma_wait3A] : memref<2x10240x16xf32, #tpu.memory_space<hbm>> -> memref<1x640x16xf32, #tpu.memory_space<hbm>>
      %dma_wait3A_29 = tpu.memref_squeeze %dma_wait3A_28 : memref<1x640x16xf32, #tpu.memory_space<hbm>> -> memref<640x16xf32, #tpu.memory_space<hbm>>
      %dma_wait3A_30 = arith.constant 0 : i32
      %dma_wait3A_31 = tpu.memref_slice %arg9[%mul3A_6, %dma_wait3A_30] : memref<10240x16xf32, #tpu.memory_space<vmem_shared>> -> memref<640x16xf32, #tpu.memory_space<vmem_shared>>
      tpu.wait_dma2 semaphore(%run_scoped3A_23 : memref<!tpu.dma_semaphore, #tpu.memory_space<semaphore_mem>>) src(%dma_wait3A_31 : memref<640x16xf32, #tpu.memory_space<vmem_shared>>) dst(%dma_wait3A_29 : memref<640x16xf32, #tpu.memory_space<hbm>>)
      tpu.yield
    }) : () -> ()
    return
  }
}

module attributes {stable_mosaic.version = 14 : i64} {
  func.func @body(%arg0: i32, %arg1: memref<400x128xf32, #tpu.memory_space<vmem>>, %arg2: memref<128x128xf32, #tpu.memory_space<vmem>>, %arg3: memref<2x2x400x1xf32, #tpu.memory_space<vmem>>, %arg4: memref<400x128xbf16, #tpu.memory_space<vmem>>) attributes {dimension_semantics = [#tpu.dimension_semantics<arbitrary>], iteration_bounds = array<i64: 25>, scalar_prefetch = 0 : i64, scratch_operands = 0 : i64, tpu.core_type = #tpu.core_type<tc>, window_params = [{transform_indices = @transform_0, window_bounds = array<i64: 400, 128>}, {pipeline_mode = #tpu.pipeline_mode<synchronous>, transform_indices = @transform_1, window_bounds = array<i64: 128, 128>}, {transform_indices = @transform_2, window_bounds = array<i64: 2, 2, 400, 1>}, {transform_indices = @transform_3, window_bounds = array<i64: 400, 128>}]} {
    %get3A = arith.constant 0 : index
    %get3A_0 = arith.constant 0 : index
    %get3A_1 = arith.constant 0 : index
    %get3A_2 = arith.constant 0 : index
    %get3A_3 = vector.load %arg3[%get3A, %get3A_0, %get3A_1, %get3A_2] : memref<2x2x400x1xf32, #tpu.memory_space<vmem>>, vector<1x1x400x1xf32>
    %get3A_4 = vector.shape_cast %get3A_3 : vector<1x1x400x1xf32> to vector<400x1xf32>
    %get3A_5 = arith.constant 1 : index
    %get3A_6 = arith.constant 0 : index
    %get3A_7 = arith.constant 0 : index
    %get3A_8 = arith.constant 0 : index
    %get3A_9 = vector.load %arg3[%get3A_5, %get3A_6, %get3A_7, %get3A_8] : memref<2x2x400x1xf32, #tpu.memory_space<vmem>>, vector<1x1x400x1xf32>
    %get3A_10 = vector.shape_cast %get3A_9 : vector<1x1x400x1xf32> to vector<400x1xf32>
    %add3A = arith.addf %get3A_4, %get3A_10 : vector<400x1xf32>
    %max3A = arith.constant 1.000000e+00 : f32
    %max3A_11 = vector.broadcast %max3A : f32 to vector<400x1xf32>
    %max3A_12 = arith.maximumf %add3A, %max3A_11 : vector<400x1xf32>
    %rsqrt3A = math.rsqrt %max3A_12 : vector<400x1xf32>
    %get3A_13 = arith.constant 0 : index
    %get3A_14 = arith.constant 0 : index
    %get3A_15 = vector.load %arg1[%get3A_13, %get3A_14] : memref<400x128xf32, #tpu.memory_space<vmem>>, vector<400x128xf32>
    %get3A_16 = arith.constant 0 : index
    %get3A_17 = arith.constant 0 : index
    %get3A_18 = vector.load %arg2[%get3A_16, %get3A_17] : memref<128x128xf32, #tpu.memory_space<vmem>>, vector<128x128xf32>
    %dot_general3A = arith.constant dense<0.000000e+00> : vector<400x128xf32>
    %dot_general3A_19 = tpu.matmul %get3A_15, %get3A_18, %dot_general3A {dimension_numbers = #tpu.dot_dimension_numbers<[1], [0], [0], [1], [0, 0, 1, 1], [], []>, precision = #tpu.contract_precision<fp32>, transpose_lhs_hint = false} : vector<400x128xf32>, vector<128x128xf32>, vector<400x128xf32> -> vector<400x128xf32>
    %mul3A = vector.broadcast %rsqrt3A : vector<400x1xf32> to vector<400x128xf32>
    %mul3A_20 = arith.mulf %dot_general3A_19, %mul3A : vector<400x128xf32>
    %convert_element_type3A = arith.truncf %mul3A_20 : vector<400x128xf32> to vector<400x128xbf16>
    %swap3A = arith.constant 0 : index
    %swap3A_21 = arith.constant 0 : index
    %swap3A_22 = vector.load %arg4[%swap3A, %swap3A_21] : memref<400x128xbf16, #tpu.memory_space<vmem>>, vector<400x128xbf16>
    tpu.vector_store %arg4[%swap3A, %swap3A_21], %convert_element_type3A {strides = array<i32>} : memref<400x128xbf16, #tpu.memory_space<vmem>>, vector<400x128xbf16>,
    return
  }
  func.func @transform_0(%arg0: i32) -> (i32, i32) {
    %c0_i32 = arith.constant 0 : i32
    %c0_i32_0 = arith.constant 0 : i32
    return %arg0, %c0_i32 : i32, i32
  }
  func.func @transform_1(%arg0: i32) -> (i32, i32) {
    %c0_i32 = arith.constant 0 : i32
    %c0_i32_0 = arith.constant 0 : i32
    %c0_i32_1 = arith.constant 0 : i32
    return %c0_i32, %c0_i32_0 : i32, i32
  }
  func.func @transform_2(%arg0: i32) -> (i32, i32, i32, i32) {
    %c0_i32 = arith.constant 0 : i32
    %c0_i32_0 = arith.constant 0 : i32
    %c0_i32_1 = arith.constant 0 : i32
    %c0_i32_2 = arith.constant 0 : i32
    return %c0_i32, %c0_i32_0, %arg0, %c0_i32_1 : i32, i32, i32, i32
  }
  func.func @transform_3(%arg0: i32) -> (i32, i32) {
    %c0_i32 = arith.constant 0 : i32
    %c0_i32_0 = arith.constant 0 : i32
    return %arg0, %c0_i32 : i32, i32
  }
}

module attributes {stable_mosaic.version = 14 : i64} {
  func.func @body(%arg0: i32, %arg1: memref<2x400x128xf32, #tpu.memory_space<vmem>>, %arg2: memref<2x2x400x1xf32, #tpu.memory_space<vmem>>, %arg3: memref<1x128xf32, #tpu.memory_space<vmem>>, %arg4: memref<128x16xf32, #tpu.memory_space<vmem>>, %arg5: memref<400x16xf32, #tpu.memory_space<vmem>>) attributes {dimension_semantics = [#tpu.dimension_semantics<arbitrary>], iteration_bounds = array<i64: 25>, scalar_prefetch = 0 : i64, scratch_operands = 0 : i64, tpu.core_type = #tpu.core_type<tc>, window_params = [{transform_indices = @transform_0, window_bounds = array<i64: 2, 400, 128>}, {transform_indices = @transform_1, window_bounds = array<i64: 2, 2, 400, 1>}, {pipeline_mode = #tpu.pipeline_mode<synchronous>, transform_indices = @transform_2, window_bounds = array<i64: 1, 128>}, {pipeline_mode = #tpu.pipeline_mode<synchronous>, transform_indices = @transform_3, window_bounds = array<i64: 128, 16>}, {transform_indices = @transform_4, window_bounds = array<i64: 400, 16>}]} {
    %get3A = arith.constant 0 : index
    %get3A_0 = arith.constant 0 : index
    %get3A_1 = arith.constant 0 : index
    %get3A_2 = arith.constant 0 : index
    %get3A_3 = vector.load %arg2[%get3A, %get3A_0, %get3A_1, %get3A_2] : memref<2x2x400x1xf32, #tpu.memory_space<vmem>>, vector<1x1x400x1xf32>
    %get3A_4 = vector.shape_cast %get3A_3 : vector<1x1x400x1xf32> to vector<400x1xf32>
    %get3A_5 = arith.constant 1 : index
    %get3A_6 = arith.constant 0 : index
    %get3A_7 = arith.constant 0 : index
    %get3A_8 = arith.constant 0 : index
    %get3A_9 = vector.load %arg2[%get3A_5, %get3A_6, %get3A_7, %get3A_8] : memref<2x2x400x1xf32, #tpu.memory_space<vmem>>, vector<1x1x400x1xf32>
    %get3A_10 = vector.shape_cast %get3A_9 : vector<1x1x400x1xf32> to vector<400x1xf32>
    %add3A = arith.addf %get3A_4, %get3A_10 : vector<400x1xf32>
    %get3A_11 = arith.constant 0 : index
    %get3A_12 = arith.constant 1 : index
    %get3A_13 = arith.constant 0 : index
    %get3A_14 = arith.constant 0 : index
    %get3A_15 = vector.load %arg2[%get3A_11, %get3A_12, %get3A_13, %get3A_14] : memref<2x2x400x1xf32, #tpu.memory_space<vmem>>, vector<1x1x400x1xf32>
    %get3A_16 = vector.shape_cast %get3A_15 : vector<1x1x400x1xf32> to vector<400x1xf32>
    %get3A_17 = arith.constant 1 : index
    %get3A_18 = arith.constant 1 : index
    %get3A_19 = arith.constant 0 : index
    %get3A_20 = arith.constant 0 : index
    %get3A_21 = vector.load %arg2[%get3A_17, %get3A_18, %get3A_19, %get3A_20] : memref<2x2x400x1xf32, #tpu.memory_space<vmem>>, vector<1x1x400x1xf32>
    %get3A_22 = vector.shape_cast %get3A_21 : vector<1x1x400x1xf32> to vector<400x1xf32>
    %add3A_23 = arith.addf %get3A_16, %get3A_22 : vector<400x1xf32>
    %max3A = arith.constant 1.000000e+00 : f32
    %max3A_24 = vector.broadcast %max3A : f32 to vector<400x1xf32>
    %max3A_25 = arith.maximumf %add3A_23, %max3A_24 : vector<400x1xf32>
    %rsqrt3A = math.rsqrt %max3A_25 : vector<400x1xf32>
    %max3A_26 = arith.constant 1.000000e+00 : f32
    %max3A_27 = vector.broadcast %max3A_26 : f32 to vector<400x1xf32>
    %max3A_28 = arith.maximumf %add3A, %max3A_27 : vector<400x1xf32>
    %rsqrt3A_29 = math.rsqrt %max3A_28 : vector<400x1xf32>
    %get3A_30 = arith.constant 0 : index
    %get3A_31 = arith.constant 0 : index
    %get3A_32 = arith.constant 0 : index
    %get3A_33 = vector.load %arg1[%get3A_30, %get3A_31, %get3A_32] : memref<2x400x128xf32, #tpu.memory_space<vmem>>, vector<1x400x128xf32>
    %get3A_34 = vector.shape_cast %get3A_33 : vector<1x400x128xf32> to vector<400x128xf32>
    %get3A_35 = arith.constant 1 : index
    %get3A_36 = arith.constant 0 : index
    %get3A_37 = arith.constant 0 : index
    %get3A_38 = vector.load %arg1[%get3A_35, %get3A_36, %get3A_37] : memref<2x400x128xf32, #tpu.memory_space<vmem>>, vector<1x400x128xf32>
    %get3A_39 = vector.shape_cast %get3A_38 : vector<1x400x128xf32> to vector<400x128xf32>
    %add3A_40 = arith.addf %get3A_34, %get3A_39 : vector<400x128xf32>
    %mul3A = vector.broadcast %rsqrt3A : vector<400x1xf32> to vector<400x128xf32>
    %mul3A_41 = arith.mulf %add3A_40, %mul3A : vector<400x128xf32>
    %get3A_42 = arith.constant 0 : index
    %get3A_43 = arith.constant 0 : index
    %get3A_44 = vector.load %arg3[%get3A_42, %get3A_43] : memref<1x128xf32, #tpu.memory_space<vmem>>, vector<1x128xf32>
    %add3A_45 = vector.broadcast %get3A_44 : vector<1x128xf32> to vector<400x128xf32>
    %add3A_46 = arith.addf %mul3A_41, %add3A_45 : vector<400x128xf32>
    %max3A_47 = arith.constant 0.000000e+00 : f32
    %max3A_48 = vector.broadcast %max3A_47 : f32 to vector<400x128xf32>
    %max3A_49 = arith.maximumf %add3A_46, %max3A_48 : vector<400x128xf32>
    %get3A_50 = arith.constant 0 : index
    %get3A_51 = arith.constant 0 : index
    %get3A_52 = vector.load %arg4[%get3A_50, %get3A_51] : memref<128x16xf32, #tpu.memory_space<vmem>>, vector<128x16xf32>
    %dot_general3A = arith.constant dense<0.000000e+00> : vector<400x16xf32>
    %dot_general3A_53 = tpu.matmul %max3A_49, %get3A_52, %dot_general3A {dimension_numbers = #tpu.dot_dimension_numbers<[1], [0], [0], [1], [0, 0, 1, 1], [], []>, precision = #tpu.contract_precision<fp32>, transpose_lhs_hint = false} : vector<400x128xf32>, vector<128x16xf32>, vector<400x16xf32> -> vector<400x16xf32>
    %mul3A_54 = vector.broadcast %rsqrt3A_29 : vector<400x1xf32> to vector<400x16xf32>
    %mul3A_55 = arith.mulf %dot_general3A_53, %mul3A_54 : vector<400x16xf32>
    %swap3A = arith.constant 0 : index
    %swap3A_56 = arith.constant 0 : index
    %swap3A_57 = vector.load %arg5[%swap3A, %swap3A_56] : memref<400x16xf32, #tpu.memory_space<vmem>>, vector<400x16xf32>
    tpu.vector_store %arg5[%swap3A, %swap3A_56], %mul3A_55 {strides = array<i32>} : memref<400x16xf32, #tpu.memory_space<vmem>>, vector<400x16xf32>,
    return
  }
  func.func @transform_0(%arg0: i32) -> (i32, i32, i32) {
    %c0_i32 = arith.constant 0 : i32
    %c0_i32_0 = arith.constant 0 : i32
    %c0_i32_1 = arith.constant 0 : i32
    return %c0_i32, %arg0, %c0_i32_0 : i32, i32, i32
  }
  func.func @transform_1(%arg0: i32) -> (i32, i32, i32, i32) {
    %c0_i32 = arith.constant 0 : i32
    %c0_i32_0 = arith.constant 0 : i32
    %c0_i32_1 = arith.constant 0 : i32
    %c0_i32_2 = arith.constant 0 : i32
    return %c0_i32, %c0_i32_0, %arg0, %c0_i32_1 : i32, i32, i32, i32
  }
  func.func @transform_2(%arg0: i32) -> (i32, i32) {
    %c0_i32 = arith.constant 0 : i32
    %c0_i32_0 = arith.constant 0 : i32
    %c0_i32_1 = arith.constant 0 : i32
    return %c0_i32, %c0_i32_0 : i32, i32
  }
  func.func @transform_3(%arg0: i32) -> (i32, i32) {
    %c0_i32 = arith.constant 0 : i32
    %c0_i32_0 = arith.constant 0 : i32
    %c0_i32_1 = arith.constant 0 : i32
    return %c0_i32, %c0_i32_0 : i32, i32
  }
  func.func @transform_4(%arg0: i32) -> (i32, i32) {
    %c0_i32 = arith.constant 0 : i32
    %c0_i32_0 = arith.constant 0 : i32
    return %arg0, %c0_i32 : i32, i32
  }
}

module attributes {stable_mosaic.version = 14 : i64} {
  func.func @body(%arg0: i32, %arg1: memref<2x400x16xf32, #tpu.memory_space<vmem>>, %arg2: memref<2x2x400x1xf32, #tpu.memory_space<vmem>>, %arg3: memref<1x16xf32, #tpu.memory_space<vmem>>, %arg4: memref<400x16xf32, #tpu.memory_space<vmem>>) attributes {dimension_semantics = [#tpu.dimension_semantics<arbitrary>], iteration_bounds = array<i64: 25>, scalar_prefetch = 0 : i64, scratch_operands = 0 : i64, tpu.core_type = #tpu.core_type<tc>, window_params = [{transform_indices = @transform_0, window_bounds = array<i64: 2, 400, 16>}, {transform_indices = @transform_1, window_bounds = array<i64: 2, 2, 400, 1>}, {pipeline_mode = #tpu.pipeline_mode<synchronous>, transform_indices = @transform_2, window_bounds = array<i64: 1, 16>}, {transform_indices = @transform_3, window_bounds = array<i64: 400, 16>}]} {
    %get3A = arith.constant 0 : index
    %get3A_0 = arith.constant 1 : index
    %get3A_1 = arith.constant 0 : index
    %get3A_2 = arith.constant 0 : index
    %get3A_3 = vector.load %arg2[%get3A, %get3A_0, %get3A_1, %get3A_2] : memref<2x2x400x1xf32, #tpu.memory_space<vmem>>, vector<1x1x400x1xf32>
    %get3A_4 = vector.shape_cast %get3A_3 : vector<1x1x400x1xf32> to vector<400x1xf32>
    %get3A_5 = arith.constant 1 : index
    %get3A_6 = arith.constant 1 : index
    %get3A_7 = arith.constant 0 : index
    %get3A_8 = arith.constant 0 : index
    %get3A_9 = vector.load %arg2[%get3A_5, %get3A_6, %get3A_7, %get3A_8] : memref<2x2x400x1xf32, #tpu.memory_space<vmem>>, vector<1x1x400x1xf32>
    %get3A_10 = vector.shape_cast %get3A_9 : vector<1x1x400x1xf32> to vector<400x1xf32>
    %add3A = arith.addf %get3A_4, %get3A_10 : vector<400x1xf32>
    %max3A = arith.constant 1.000000e+00 : f32
    %max3A_11 = vector.broadcast %max3A : f32 to vector<400x1xf32>
    %max3A_12 = arith.maximumf %add3A, %max3A_11 : vector<400x1xf32>
    %rsqrt3A = math.rsqrt %max3A_12 : vector<400x1xf32>
    %get3A_13 = arith.constant 0 : index
    %get3A_14 = arith.constant 0 : index
    %get3A_15 = arith.constant 0 : index
    %get3A_16 = vector.load %arg1[%get3A_13, %get3A_14, %get3A_15] : memref<2x400x16xf32, #tpu.memory_space<vmem>>, vector<1x400x16xf32>
    %get3A_17 = vector.shape_cast %get3A_16 : vector<1x400x16xf32> to vector<400x16xf32>
    %get3A_18 = arith.constant 1 : index
    %get3A_19 = arith.constant 0 : index
    %get3A_20 = arith.constant 0 : index
    %get3A_21 = vector.load %arg1[%get3A_18, %get3A_19, %get3A_20] : memref<2x400x16xf32, #tpu.memory_space<vmem>>, vector<1x400x16xf32>
    %get3A_22 = vector.shape_cast %get3A_21 : vector<1x400x16xf32> to vector<400x16xf32>
    %add3A_23 = arith.addf %get3A_17, %get3A_22 : vector<400x16xf32>
    %mul3A = vector.broadcast %rsqrt3A : vector<400x1xf32> to vector<400x16xf32>
    %mul3A_24 = arith.mulf %add3A_23, %mul3A : vector<400x16xf32>
    %get3A_25 = arith.constant 0 : index
    %get3A_26 = arith.constant 0 : index
    %get3A_27 = vector.load %arg3[%get3A_25, %get3A_26] : memref<1x16xf32, #tpu.memory_space<vmem>>, vector<1x16xf32>
    %add3A_28 = vector.broadcast %get3A_27 : vector<1x16xf32> to vector<400x16xf32>
    %add3A_29 = arith.addf %mul3A_24, %add3A_28 : vector<400x16xf32>
    %swap3A = arith.constant 0 : index
    %swap3A_30 = arith.constant 0 : index
    %swap3A_31 = vector.load %arg4[%swap3A, %swap3A_30] : memref<400x16xf32, #tpu.memory_space<vmem>>, vector<400x16xf32>
    tpu.vector_store %arg4[%swap3A, %swap3A_30], %add3A_29 {strides = array<i32>} : memref<400x16xf32, #tpu.memory_space<vmem>>, vector<400x16xf32>,
    return
  }
  func.func @transform_0(%arg0: i32) -> (i32, i32, i32) {
    %c0_i32 = arith.constant 0 : i32
    %c0_i32_0 = arith.constant 0 : i32
    %c0_i32_1 = arith.constant 0 : i32
    return %c0_i32, %arg0, %c0_i32_0 : i32, i32, i32
  }
  func.func @transform_1(%arg0: i32) -> (i32, i32, i32, i32) {
    %c0_i32 = arith.constant 0 : i32
    %c0_i32_0 = arith.constant 0 : i32
    %c0_i32_1 = arith.constant 0 : i32
    %c0_i32_2 = arith.constant 0 : i32
    return %c0_i32, %c0_i32_0, %arg0, %c0_i32_1 : i32, i32, i32, i32
  }
  func.func @transform_2(%arg0: i32) -> (i32, i32) {
    %c0_i32 = arith.constant 0 : i32
    %c0_i32_0 = arith.constant 0 : i32
    %c0_i32_1 = arith.constant 0 : i32
    return %c0_i32, %c0_i32_0 : i32, i32
  }
  func.func @transform_3(%arg0: i32) -> (i32, i32) {
    %c0_i32 = arith.constant 0 : i32
    %c0_i32_0 = arith.constant 0 : i32
    return %arg0, %c0_i32 : i32, i32
  }
}

</mosaic_0001>

<sc_bundles>
// kernel: kernel.11.cloned.1.call-start
scs
__scs_entry_jumppad:
0x0: {  	(pc) =	sbr.rel $0x88, $3  }
0x1: {  	(tag) =	ssettag $0x0;
	lr =	simm.s32 $0x1  }
0x2: {  	[smem:$0x3F9B] =	sst lr;
	_ =	strace $0xD0000000  }
0x3: {  	_ = 	snop  }
0x4: {  	_ = 	snop  }
0x5: {  	_ = 	snop  }
0x6: {  	_ = 	snop  }
0x7: {  	_ = 	snop  }
__scs_overlays_trampoline_lowered:
0x8: {  	[smem:$0x3FAA] =	sst s0  }
0x9: {  	[smem:$0x3FAB] =	sst s1  }
0xa: {  	[smem:$0x3FAC] =	sst s2  }
0xb: {  	[smem:$0x3FAD] =	sst s3  }
0xc: {  	[smem:$0x3FAE] =	sst s4  }
0xd: {  	[smem:$0x3FAF] =	sst s5  }
0xe: {  	[smem:$0x3FB0] =	sst s6  }
0xf: {  	[smem:$0x3FB1] =	sst s7  }
0x10: {  	[smem:$0x3FB2] =	sst s8  }
0x11: {  	[smem:$0x3FB3] =	sst s9;
	s0 =	simm.s32 @!p0 $0x0  }
0x12: {  	s1 =	sld [smem:$0x3F99];
	s0 =	simm.s32 @p0 $0x1  }
0x13: {  	[smem:$0x3FB4] =	sst s0;
	s0 =	simm.s32 @!p1 $0x0  }
0x14: {  	s2 =	sld [smem:$0x3F98];
	s0 =	simm.s32 @p1 $0x1  }
0x15: {  	[smem:$0x3FB5] =	sst s0;
	s0 =	simm.s32 @!p2 $0x0  }
0x16: {  	s3 =	sld [smem:$0x3FDB];
	s0 =	simm.s32 @p2 $0x1  }
0x17: {  	s4 =	simm.s32 $0x1BF5;
	[smem:$0x3FB7] =	sst s0  }
0x18: {  	s0 =	sld [smem:$0x3F9A];
	_ =	swait.ge [sflag:s4], $0x0  }
0x19: {  	s7 =	sld [smem:$0x3F9B]  }
0x1a: {  	s8 =	sadd.s32 $0xFFFFE003, lr  }
0x1b: {  	s9 =	sadd.s32 $0xFFFFFEF7, lr;
	s5 =	simm.s32 $0xFFFFFFFF;
	p2 =	slt.u32 s8, $0xFFFFF086  }
0x1c: {  	p1 =	slt.u32 s9, $0xF7A;
	s5 =	simm.s32 @!p2 $0x0  }
0x1d: {  	s5 =	simm.s32 @p1 $0x1;
	p0 =	seq.s32 s7, s2  }
0x1e: {  	s7 =	smul.u32 @!p0 $0xF7A, s2;
	p2 =	seq.s32 @!p0 s5, $0x0  }
0x1f: {  	s9 =	smul.u32 $0xF7A, s1;
	s8 =	simm.s32 @!p0 $0x1BF5;
	p2 =	por !p2, p0  }
0x20: {  	[sflag:s8] =	ssyncset.s32 @!p0 $0xFFFFF086;
	s6 =	sadd.s32 @!p0 s3, s7;
	s7 =	simm.s32 @!p0 $0x108  }
0x21: {  	s3 =	sadd.s32 s3, s9;
	s6 =	sadd.s32 @!p0 $0x88, s6;
	s7 =	simm.s32 @p2 $0x1082  }
0x22: {  	[simem:s7], [sflag:s8] =	dma.local @!p0 [hbm:s6], $0xF7A  }
0x23: {  	s9 =	sor.u32 $0xD0000000, s2;
	s6 =	simm.s32 $0x108;
	_ =	swait.ge @!p0 [sflag:s8], $0x0  }
0x24: {  	s3 =	sadd.s32 $0x88, s3;
	s6 =	simm.s32 @!p1 $0x1082;
	[sflag:s4] =	ssyncset.s32 $0xFFFFF086  }
0x25: {  	[simem:s6], [sflag:s4] =	dma.local [hbm:s3], $0xF7A  }
0x26: {  	[smem:$0x3F9B] =	sst s1;
	(tag) =	ssettag s2;
	_ =	strace s9  }
0x27: {  	s1 =	sld [smem:$0x3FAB]  }
0x28: {  	s2 =	sld [smem:$0x3FAC]  }
0x29: {  	s4 =	sld [smem:$0x3FAE]  }
0x2a: {  	p0 =	seq.s32 s5, $0x0;
	s5 =	sld [smem:$0x3FAF]  }
0x2b: {  	s6 =	sld [smem:$0x3FB0]  }
0x2c: {  	s7 =	sld [smem:$0x3FB1]  }
0x2d: {  	s3 =	simm.s32 $0x108;
	s8 =	sld [smem:$0x3FB2]  }
0x2e: {  	s3 =	simm.s32 @!p0 $0x1082;
	s9 =	sld [smem:$0x3FB3]  }
0x2f: {  	lr =	sadd.s32 s0, s3;
	s0 =	sld [smem:$0x3FAA]  }
0x30: {  	s3 =	sld [smem:$0x3FAD]  }
0x31: {  	[smem:$0x3FB6] =	sst s10  }
0x32: {  	s10 =	sld [smem:$0x3FB4];
	_ =	sdelay $0x3  }
0x33: {  	p0 =	seq.s32 s10, $0x1;
	s10 =	sld [smem:$0x3FB6];
	_ =	sdelay $0x3  }
0x34: {  	[smem:$0x3FB6] =	sst s10  }
0x35: {  	s10 =	sld [smem:$0x3FB5];
	_ =	sdelay $0x3  }
0x36: {  	p1 =	seq.s32 s10, $0x1;
	s10 =	sld [smem:$0x3FB6];
	_ =	sdelay $0x3  }
0x37: {  	[smem:$0x3FB6] =	sst s10  }
0x38: {  	s10 =	sld [smem:$0x3FB7]  }
0x39: {  	_ = 	snop;
	(pc) =	sbr.ind lr, $3  }
0x3a: {  	_ = 	snop  }
0x3b: {  	_ = 	snop  }
0x3c: {  	p2 =	seq.s32 s10, $0x1;
	s10 =	sld [smem:$0x3FB6]  }
0x3d: {  	_ =	shalt  }
0x3e: {  	_ =	shalt  }
0x3f: {  	_ =	shalt  }
0x40: {  	_ =	shalt  }
0x41: {  	_ =	shalt  }
0x42: {  	_ =	shalt  }
0x43: {  	_ =	shalt  }
0x44: {  	_ =	shalt  }
0x45: {  	_ =	shalt  }
0x46: {  	_ =	shalt  }
0x47: {  	_ =	shalt  }
0x48: {  	_ =	shalt  }
0x49: {  	_ =	shalt  }
0x4a: {  	_ =	shalt  }
0x4b: {  	_ =	shalt  }
0x4c: {  	_ =	shalt  }
0x4d: {  	_ =	shalt  }
0x4e: {  	_ =	shalt  }
0x4f: {  	_ =	shalt  }
0x50: {  	_ =	shalt  }
0x51: {  	_ =	shalt  }
0x52: {  	_ =	shalt  }
0x53: {  	_ =	shalt  }
0x54: {  	_ =	shalt  }
0x55: {  	_ =	shalt  }
0x56: {  	_ =	shalt  }
0x57: {  	_ =	shalt  }
0x58: {  	_ =	shalt  }
0x59: {  	_ =	shalt  }
0x5a: {  	_ =	shalt  }
0x5b: {  	_ =	shalt  }
0x5c: {  	_ =	shalt  }
0x5d: {  	_ =	shalt  }
0x5e: {  	_ =	shalt  }
0x5f: {  	_ =	shalt  }
0x60: {  	_ =	shalt  }
0x61: {  	_ =	shalt  }
0x62: {  	_ =	shalt  }
0x63: {  	_ =	shalt  }
0x64: {  	_ =	shalt  }
0x65: {  	_ =	shalt  }
0x66: {  	_ =	shalt  }
0x67: {  	_ =	shalt  }
0x68: {  	_ =	shalt  }
0x69: {  	_ =	shalt  }
0x6a: {  	_ =	shalt  }
0x6b: {  	_ =	shalt  }
0x6c: {  	_ =	shalt  }
0x6d: {  	_ =	shalt  }
0x6e: {  	_ =	shalt  }
0x6f: {  	_ =	shalt  }
0x70: {  	_ =	shalt  }
0x71: {  	_ =	shalt  }
0x72: {  	_ =	shalt  }
0x73: {  	_ =	shalt  }
0x74: {  	_ =	shalt  }
0x75: {  	_ =	shalt  }
0x76: {  	_ =	shalt  }
0x77: {  	_ =	shalt  }
0x78: {  	_ =	shalt  }
0x79: {  	_ =	shalt  }
0x7a: {  	_ =	shalt  }
0x7b: {  	_ =	shalt  }
0x7c: {  	_ =	shalt  }
0x7d: {  	_ =	shalt  }
0x7e: {  	_ =	shalt  }
0x7f: {  	_ =	shalt  }
0x80: {  	_ =	shalt  }
0x81: {  	_ =	shalt  }
0x82: {  	_ =	shalt  }
0x83: {  	_ =	shalt  }
0x84: {  	_ =	shalt  }
0x85: {  	_ =	shalt  }
0x86: {  	_ =	shalt  }
0x87: {  	_ =	shalt  }
.Lfunc_end0:
.L_simem_size_0:
called_computation.1_lowered:
.L_overlay_start_0:
0x88: {  	s2 =	sld [smem:$0x3FD9]  }
0x89: {  	s3 =	sld [smem:$0x3FFE];
	_ =	sdelay $0x1  }
0x8a: {  	s1 =	srdreg.scid  }
0x8b: {  	s0 =	sand.u32 $0x1, s1  }
0x8c: {  	s16 =	sshll.u32 s0, $0xA;
	s2 =	sadd.s32 s3, s2  }
0x8d: {  	s2 =	sadd.s32 s2, s16  }
0x8e: {  	[smem:$0x3FC2] =	sst s2  }
0x8f: {  	_ = 	snop  }
0x90: {  	(tm) =	ssettm $0x1  }
0x91: {  	s17 =	sld [smem:$0x3FFB];
	_ =	sdelay $0x3  }
0x92: {  	_ =	strace s17  }
0x93: {  	s2 =	sld [smem:$0x3FFC];
	_ =	sdelay $0x3  }
0x94: {  	_ =	strace s2  }
0x95: {  	s2 =	sld [smem:$0x3FFD];
	_ =	sdelay $0x3  }
0x96: {  	_ =	strace s2  }
0x97: {  	_ =	strace $0x8FFFFFFF  }
0x98: {  	s18 =	sld [smem:$0x3FDB];
	_ =	sdelay $0x1  }
0x99: {  	s19 =	simm.s32 $_scs_section_size  }
0x9a: {  	s4 =	simm.s32 $_size__tile_overlayer_lowered;
	s5 =	simm.s32 $_tile_overlayer_lowered  }
0x9b: {  	s22 =	simm.s32 $0x1BFF;
	s21 =	sshll.u32 s5, $0x1;
	s2 =	sadd.s32 s19, s18  }
0x9c: {  	s6 =	simm.s32 $0x0;
	s20 =	sshll.u32 s4, $0x1;
	s4 =	sadd.s32 s21, s2  }
0x9d: {  	[timem:s6], [sflag:s22] =	dma.local [hbm:s4], s20  }
0x9e: {  	_ =	swait.ge [sflag:s22], s20  }
0x9f: {  	s3 =	ssub.s32 $0x0, s20;
	[sflag:s22] =	ssyncset.done $0x0  }
0xa0: {  	[sflag:s22] =	ssyncadd.s32 s3;
	_ =	sdelay $0x1  }
0xa1: {  	s23 =	simm.s32 $0x1B8B  }
0xa2: {  	_ =	swait.ge [sflag:s23], $0x1  }
0xa3: {  	[sflag:s23] =	ssyncset.done $0x0  }
0xa4: {  	s25 =	simm.s32 $0x1B8E;
	s24 =	sld [smem:$0x3FFE];
	[sflag:s23] =	ssyncadd.s32 $0xFFFFFFFF  }
0xa5: {  	s26 =	simm.s32 $execute0_lowered;
	[smem:$0x3FD2] =	sst s25  }
0xa6: {  	s4 =	sshll.u32 s26, $0x1;
	_ =	strace $0x80000049;
	[dreg:$0x1] =	wrdreg $0xFFFFFFFF  }
0xa7: {  	s28 =	simm.s32 $_size_execute0_lowered;
	s2 =	sadd.s32 s2, s4;
	[dreg:$0x0] =	wrdreg $0x0  }
0xa8: {  	s4 =	sshll.u32 s28, $0x1;
	[dreg:$0x2] =	wrdreg s2  }
0xa9: {  	[dreg:$0x3] =	wrdreg s4  }
0xaa: {  	[dreg:$0x4] =	wrdreg $0xC0  }
0xab: {  	_ =	task [dreg:s6], $0x5FFFF  }
0xac: {  	[dreg:$0x1] =	wrdreg $0xFFFFFFFF  }
0xad: {  	[dreg:$0x0] =	wrdreg $0x60  }
0xae: {  	[dreg:$0x2] =	wrdreg s24  }
0xaf: {  	[dreg:$0x3] =	wrdreg $0xA8000  }
0xb0: {  	[dreg:$0x4] =	wrdreg $0x9  }
0xb1: {  	_ =	task.clear_ibuf [dreg:s6], $0x5FFFF;
	_ =	strace $0x90000049  }
0xb2: {  	s29 =	simm.s32 $0x9;
	_ =	strace $0x8000004B  }
0xb3: {  	_ =	swait.ge [sflag:s29], $0x1  }
0xb4: {  	[sflag:s29] =	ssyncadd.s32 $0xFFFFFFFF  }
0xb5: {  	_ =	strace $0x9000004B  }
0xb6: {  	_ =	sfence  }
0xb7: {  	s30 =	sld [smem:$0x0];
	_ =	sdelay $0x2  }
0xb8: {  	s31 =	sshll.u32 s1, $0xD;
	s1 =	sshrl.u32 s1, $0x2  }
0xb9: {  	s3 =	sand.u32 $0x4000, s31;
	s1 =	sadd.s32 s1, s30  }
0xba: {  	s0 =	sor.u32 s3, s0;
	s1 =	sshll.u32 s1, $0x11  }
0xbb: {  	s0 =	sor.u32 s1, s0  }
0xbc: {  	s0 =	sadd.s32 $0x8F2B, s0  }
0xbd: {  	[sflag:s0] =	ssyncadd.remote.s32 $0x1  }
0xbe: {  	_ =	sfence.sel $0xFFFF  }
0xbf: {  	[dreg:$0x0] =	wrdreg $0xFFFFFFFF;
	(pc) =	sbr.abs _section_cstart, $3  }
0xc0: {  	[dreg:$0x1] =	wrdreg $0xFFFFFFFF  }
0xc1: {  	_ =	task.clear_ibuf [dreg:s6], $0x2FFFF;
	_ =	strace $0x9FFFFFFF  }
0xc2: {  	(tm) =	ssettm $0x7FFFFFFF  }
0xc3: {  	_ =	shalt  }
tec
execute0_lowered:
.L_overlay_start_1:
0x0: {  	(tag) =	ssettag $0x1  }
0x1: {  	s6 =	rddreg [dreg:$0x0]  }
0x2: {  	s0 =	srdreg.scid;
	s2 =	rddreg [dreg:$0x1];
	s3 =	simm.s32 $0x0  }
0x3: {  	s16 =	simm.s32 $0x6800;
	s17 =	simm.s32 $0x3;
	s18 =	simm.s32 $0x1400  }
0x4: {  	s19 =	simm.s32 $0x80;
	s20 =	simm.s32 $0x2800;
	s21 =	simm.s32 $0x1  }
0x5: {  	s22 =	simm.s32 $0x2;
	s5 =	sand.u32 $0x1, s0;
	s0 =	stileid.u32  }
0x6: {  	s24 =	simm.s32 $0x0;
	[smem:$0x7FF] =	sst s3;
	s8 =	smul.u32 $0x140000, s5  }
0x7: {  	s4 =	sadd.s32 $0x1600, s6;
	s1 =	sshll.u32 s5, $0x4;
	s11 =	smul.u32 $0x14000, s0  }
0x8: {  	s5 =	ssub.s32 $0x2, s5;
	s9 =	smul.u32 $0x50000, s0;
	s1 =	sor.u32 s0, s1  }
0x9: {  	s30 =	sshrl.u32 s5, $0x1;
	s7 =	smul.u32 $0x2800, s1;
	s1 =	rddreg [dreg:$0x2]  }
0xa: {  	_ =	strace $0x8000004A;
	s8 =	sadd.s32 s11, s8;
	s13 =	ssub.s32 s5, s30  }
0xb: {  	s31 =	sshrl.u32 s9, $0x2;
	s23 =	sadd.s32 s11, s2;
	s29 =	sshrl.u32 s8, $0x3  }
0xc: {  	s5 =	sadd.s32 s31, s2;
	s11 =	smax.u32 s13, $0x1;
	s23 =	sshrl.u32 s23, $0x3  }
0xd: {  	s7 =	sshrl.u32 s7, $0x3;
	s12 =	sadd.s32 s29, s6;
	s13 =	sadd.s32 $0x8000, s5  }
0xe: {  	s14 =	sadd.s32 $0xC000, s5;
	s15 =	sadd.s32 $0x10000, s5;
	s10 =	sadd.s32 s7, s6  }
0xf: {  	s6 =	sadd.s32 $0x15600, s10;
	s7 =	sadd.s32 $0x1F600, s10;
	s8 =	sadd.s32 $0x15880, s10  }
0x10: {  	v0 =	vimm.f32 $0.0e+00;
	s9 =	sadd.s32 $0x1F880, s10;
	s10 =	sadd.s32 $0xC9600, s12;
	s12 =	sadd.s32 $0x4000, s5  }
.LBB2_1:
0x11: {  	s25 =	sand.u32 $0xFE00, s3  }
0x12: {  	s26 =	sand.u32 $0x70, s3;
	s28 =	sshrl.u32 s25, $0x2  }
0x13: {  	s25 =	simm.s32 $0x40;
	s28 =	sor.u32 s26, s28;
	s26 =	simm.s32 $0x0  }
.LBB2_2:
0x14: {  	p0 =	sne.s32 s25, $0xFFC0  }
0x15: {  	[tilespmem:s28+$0x6800] =	vst v0;
	s26 =	sadd.s32 $0x10, s26;
	s28 =	smov.u32 s25;
	s25 =	sadd.s32 $0x40, s25  }
.Ltmp0:
0x16: {  	(pc) =	sbr.rel @p0 .LBB2_2-.Ltmp0, $4  }
0x17: {  	_ = 	snop  }
0x18: {  	s28 =	sand.u32 $0xFE00, s28  }
0x19: {  	s29 =	sand.u32 $0x70, s26;
	s28 =	sshrl.u32 s28, $0x2  }
0x1a: {  	s28 =	sor.u32 s29, s28  }
0x1b: {  	[tilespmem:s28+$0x6800] =	vst v0  }
0x1c: {  	[spmem:s5] =	stream.linear.scatter [tilespmem:s16], [sflag:$0x3], $0x4000, $0x38;
	[tilespmem:$0x1E800] =	vst v63  }
0x1d: {  	_ =	swait.ge [sflag:s17], $0x4000  }
0x1e: {  	[sflag:s17] =	ssyncset.done $0x0  }
0x1f: {  	[sflag:s17] =	ssyncadd.s32 $0xFFFFC000  }
0x20: {  	[spmem:s12] =	stream.linear.scatter [tilespmem:s16], [sflag:$0x3], $0x4000, $0x38;
	[tilespmem:$0x1E800] =	vst v63  }
0x21: {  	_ =	swait.ge [sflag:s17], $0x4000  }
0x22: {  	[sflag:s17] =	ssyncset.done $0x0  }
0x23: {  	[sflag:s17] =	ssyncadd.s32 $0xFFFFC000  }
0x24: {  	[spmem:s13] =	stream.linear.scatter [tilespmem:s16], [sflag:$0x3], $0x4000, $0x38;
	[tilespmem:$0x1E800] =	vst v63  }
0x25: {  	_ =	swait.ge [sflag:s17], $0x4000  }
0x26: {  	[sflag:s17] =	ssyncset.done $0x0  }
0x27: {  	[sflag:s17] =	ssyncadd.s32 $0xFFFFC000  }
0x28: {  	[spmem:s14] =	stream.linear.scatter [tilespmem:s16], [sflag:$0x3], $0x4000, $0x38;
	[tilespmem:$0x1E800] =	vst v63  }
0x29: {  	_ =	swait.ge [sflag:s17], $0x4000  }
0x2a: {  	[sflag:s17] =	ssyncset.done $0x0  }
0x2b: {  	[sflag:s17] =	ssyncadd.s32 $0xFFFFC000  }
0x2c: {  	[spmem:s15] =	stream.linear.scatter [tilespmem:s16], [sflag:$0x3], $0x4000, $0x38;
	[tilespmem:$0x1E800] =	vst v63  }
0x2d: {  	_ =	swait.ge [sflag:s17], $0x4000  }
0x2e: {  	[sflag:s17] =	ssyncset.done $0x0  }
0x2f: {  	[sflag:s17] =	ssyncadd.s32 $0xFFFFC000  }
0x30: {  	s25 =	simm.s32 $0x0;
	[bflag:$0x0] =	sbarrier.arrive $0xFFFF  }
0x31: {  	[tilespmem:s25], [sflag:$0x3] =	stream.linear.gather [hbm4b:s6+s25], $0x1400, $0x38;
	[tilespmem:$0x1E800] =	vst v63  }
0x32: {  	_ =	swait.ge [sflag:s17], $0x1400  }
0x33: {  	[sflag:s17] =	ssyncset.done $0x0  }
0x34: {  	[sflag:s17] =	ssyncadd.s32 $0xFFFFEC00  }
0x35: {  	[tilespmem:s18], [sflag:$0x3] =	stream.linear.gather [hbm4b:s7+s25], $0x1400, $0x38;
	[tilespmem:$0x1E800] =	vst v63  }
0x36: {  	_ =	swait.ge [sflag:s17], $0x1400  }
0x37: {  	[sflag:s17] =	ssyncset.done $0x0  }
0x38: {  	p0 =	por $0x0, $0x0;
	[sflag:s17] =	ssyncadd.s32 $0xFFFFEC00  }
0x39: {  	[tilespmem:s20], [sflag:$0x1] =	stream.indirect.gather [hbm4b:s4+s19], $0x40, s25, s19, $0xb8;
	[tilespmem:$0x1E800] =	vst v63  }
.LBB2_4:
0x3a: {  	s28 =	sand.u32 $0x1, s25;
	_ =	swait.ge [sflag:s21], $0x2000;
	p1 =	seq.s32 s25, $0x27  }
0x3b: {  	s26 =	sadd.s32 $0x1, s25;
	[sflag:s21] =	ssyncset.done $0x0;
	s28 =	sshll.u32 @!p1 s28, $0xD  }
0x3c: {  	s29 =	sshll.u32 @!p1 s26, $0x7;
	s30 =	simm.s32 @!p1 $0x80;
	s28 =	sxor.u32 @!p1 $0x2000, s28  }
0x3d: {  	[sflag:s21] =	ssyncadd.s32 $0xFFFFE000;
	s29 =	sand.u32 @!p1 $0x3FFFFF80, s29;
	s28 =	sadd.s32 @!p1 $0x2800, s28  }
0x3e: {  	[tilespmem:s28], [sflag:$0x1] =	stream.indirect.gather @!p1 [hbm4b:s4+s30], $0x40, s29, s30, $0xb8;
	[tilespmem:$0x1E800] =	vst v63  }
0x3f: {  	s28 =	simm.s32 $0x1  }
0x40: {  	s28 =	simm.s32 @!p0 $0x0  }
0x41: {  	s28 =	sshll.u32 s28, $0xD  }
0x42: {  	s28 =	sadd.s32 $0x2800, s28  }
0x43: {  	p2 =	seq.s32 @!p1 s25, $0x0;
	v1 =	vmov s28  }
0x44: {  	p1 =	por p1, !p2  }
0x45: {  	_ =	swait.ge @p1 [sflag:s22], $0x4000  }
0x46: {  	[sflag:s22] =	ssyncset.done @p1 $0x0  }
0x47: {  	s29 =	simm.s32 $0x0;
	[sflag:s22] =	ssyncadd.s32 @p1 $0xFFFFC000  }
0x48: {  	v2 =	vld.idx.msk [tilespmem:v1+s29+$0x0 ss:$0x1], $0xffff;
	_ =	sdelay $0x4  }
0x49: {  	s28 =	simm.s32 $0x6840;
	v3 =	vshll.u32 v2, $0x10  }
0x4a: {  	v2 =	vand.u32 $0xFFFF0000, v2;
	[tilespmem:s28+$0xFFFFFFC0] =	vst v3  }
0x4b: {  	[tilespmem:s28+$0xFFFFFFD0] =	vst v2  }
0x4c: {  	v2 =	vld.idx.msk [tilespmem:v1+s29+$0x10 ss:$0x1], $0xffff;
	_ =	sdelay $0x4  }
0x4d: {  	v3 =	vshll.u32 v2, $0x10  }
0x4e: {  	v2 =	vand.u32 $0xFFFF0000, v2;
	[tilespmem:s28+$0xFFFFFFE0] =	vst v3  }
0x4f: {  	[tilespmem:s28+$0xFFFFFFF0] =	vst v2  }
0x50: {  	v2 =	vld.idx.msk [tilespmem:v1+s29+$0x20 ss:$0x1], $0xffff;
	_ =	sdelay $0x4  }
0x51: {  	v3 =	vand.u32 $0xFFFF0000, v2  }
0x52: {  	v2 =	vshll.u32 v2, $0x10;
	[tilespmem:s28+$0x10] =	vst v3  }
0x53: {  	[tilespmem:s28+$0x0] =	vst v2  }
0x54: {  	v2 =	vld.idx.msk [tilespmem:v1+s29+$0x30 ss:$0x1], $0xffff;
	_ =	sdelay $0x4  }
0x55: {  	v3 =	vshll.u32 v2, $0x10  }
0x56: {  	v2 =	vand.u32 $0xFFFF0000, v2;
	[tilespmem:s28+$0x20] =	vst v3  }
0x57: {  	s29 =	simm.s32 $0x40;
	[tilespmem:s28+$0x30] =	vst v2  }
0x58: {  	s30 =	simm.s32 $0x200;
	v2 =	vld.idx.msk [tilespmem:v1+s29+$0x0 ss:$0x1], $0xffff  }
.LBB2_5:
0x59: {  	p1 =	sne.s32 s30, $0x7F00;
	_ =	sdelay $0x3  }
0x5a: {  	s28 =	sadd.s32 $0x80, s28;
	v3 =	vshll.u32 v2, $0x10  }
0x5b: {  	v2 =	vand.u32 $0xFFFF0000, v2;
	[tilespmem:s28+$0xFFFFFFC0] =	vst v3  }
0x5c: {  	[tilespmem:s28+$0xFFFFFFD0] =	vst v2  }
0x5d: {  	v2 =	vld.idx.msk [tilespmem:v1+s29+$0x10 ss:$0x1], $0xffff;
	_ =	sdelay $0x5  }
0x5e: {  	v3 =	vshll.u32 v2, $0x10  }
0x5f: {  	v2 =	vand.u32 $0xFFFF0000, v2;
	[tilespmem:s28+$0xFFFFFFE0] =	vst v3  }
0x60: {  	[tilespmem:s28+$0xFFFFFFF0] =	vst v2  }
0x61: {  	v2 =	vld.idx.msk [tilespmem:v1+s29+$0x20 ss:$0x1], $0xffff;
	_ =	sdelay $0x5  }
0x62: {  	v3 =	vshll.u32 v2, $0x10;
	v2 =	vand.u32 $0xFFFF0000, v2  }
0x63: {  	[tilespmem:s28+$0x10] =	vst v2  }
0x64: {  	[tilespmem:s28+$0x0] =	vst v3  }
0x65: {  	v2 =	vld.idx.msk [tilespmem:v1+s29+$0x30 ss:$0x1], $0xffff;
	_ =	sdelay $0x5  }
.Ltmp1:
0x66: {  	v3 =	vshll.u32 v2, $0x10;
	v2 =	vand.u32 $0xFFFF0000, v2;
	(pc) =	sbr.rel @p1 .LBB2_5-.Ltmp1, $4  }
0x67: {  	[tilespmem:s28+$0x20] =	vst v3  }
0x68: {  	s29 =	sshra.s32 s30, $0x2;
	[tilespmem:s28+$0x30] =	vst v2  }
0x69: {  	v2 =	vld.idx.msk [tilespmem:v1+s29+$0x0 ss:$0x1], $0xffff  }
0x6a: {  	s30 =	sadd.s32 $0x100, s30  }
0x6b: {  	_ =	sdelay $0x2  }
0x6c: {  	s28 =	sadd.s32 $0x80, s28;
	v3 =	vshll.u32 v2, $0x10  }
0x6d: {  	v2 =	vand.u32 $0xFFFF0000, v2;
	[tilespmem:s28+$0xFFFFFFC0] =	vst v3  }
0x6e: {  	[tilespmem:s28+$0xFFFFFFD0] =	vst v2  }
0x6f: {  	v2 =	vld.idx.msk [tilespmem:v1+s29+$0x10 ss:$0x1], $0xffff;
	_ =	sdelay $0x4  }
0x70: {  	v3 =	vshll.u32 v2, $0x10  }
0x71: {  	v2 =	vand.u32 $0xFFFF0000, v2;
	[tilespmem:s28+$0xFFFFFFE0] =	vst v3  }
0x72: {  	[tilespmem:s28+$0xFFFFFFF0] =	vst v2  }
0x73: {  	v2 =	vld.idx.msk [tilespmem:v1+s29+$0x20 ss:$0x1], $0xffff;
	_ =	sdelay $0x4  }
0x74: {  	v3 =	vand.u32 $0xFFFF0000, v2  }
0x75: {  	v2 =	vshll.u32 v2, $0x10;
	[tilespmem:s28+$0x10] =	vst v3  }
0x76: {  	[tilespmem:s28+$0x0] =	vst v2  }
0x77: {  	v1 =	vld.idx.msk [tilespmem:v1+s29+$0x30 ss:$0x1], $0xffff;
	_ =	sdelay $0x3  }
0x78: {  	p1 =	sne.s32 s26, $0x28  }
.Ltmp2:
0x79: {  	s25 =	sshll.u32 s25, $0x7;
	v2 =	vshll.u32 v1, $0x10;
	(pc) =	sbr.rel @p1 .LBB2_4-.Ltmp2, $4  }
0x7a: {  	s25 =	sand.u32 $0x3FFFFF80, s25;
	v1 =	vand.u32 $0xFFFF0000, v1;
	[tilespmem:s28+$0x20] =	vst v2  }
0x7b: {  	s25 =	sadd.s32 $0x1400, s25;
	[tilespmem:s28+$0x30] =	vst v1  }
0x7c: {  	[spmem:s2] =	stream.indirect.scatter.add.f32 [tilespmem:s16], [sflag:$0x2], $0x80, s25, s19, $0xb8;
	[tilespmem:$0x1E800] =	vst v63  }
0x7d: {  	p0 =	por !p0, !p0;
	s25 =	smov.u32 s26  }
0x7e: {  	_ =	swait.ge [sflag:s22], $0x4000  }
0x7f: {  	[sflag:s22] =	ssyncset.done $0x0  }
0x80: {  	s25 =	simm.s32 $0x0;
	[sflag:s22] =	ssyncadd.s32 $0xFFFFC000  }
0x81: {  	[tilespmem:s25], [sflag:$0x3] =	stream.linear.gather [hbm4b:s8+s25], $0x1400, $0x38;
	[tilespmem:$0x1E800] =	vst v63  }
0x82: {  	_ =	swait.ge [sflag:s17], $0x1400  }
0x83: {  	[sflag:s17] =	ssyncset.done $0x0  }
0x84: {  	[sflag:s17] =	ssyncadd.s32 $0xFFFFEC00  }
0x85: {  	[tilespmem:s18], [sflag:$0x3] =	stream.linear.gather [hbm4b:s9+s25], $0x1400, $0x38;
	[tilespmem:$0x1E800] =	vst v63  }
0x86: {  	_ =	swait.ge [sflag:s17], $0x1400  }
0x87: {  	[sflag:s17] =	ssyncset.done $0x0  }
0x88: {  	p0 =	por $0x0, $0x0;
	[sflag:s17] =	ssyncadd.s32 $0xFFFFEC00  }
0x89: {  	[tilespmem:s20], [sflag:$0x1] =	stream.indirect.gather [hbm4b:s4+s19], $0x40, s25, s19, $0xb8;
	[tilespmem:$0x1E800] =	vst v63  }
.LBB2_8:
0x8a: {  	s28 =	sand.u32 $0x1, s25;
	_ =	swait.ge [sflag:s21], $0x2000;
	p1 =	seq.s32 s25, $0x27  }
0x8b: {  	s26 =	sadd.s32 $0x1, s25;
	[sflag:s21] =	ssyncset.done $0x0;
	s28 =	sshll.u32 @!p1 s28, $0xD  }
0x8c: {  	s29 =	sshll.u32 @!p1 s26, $0x7;
	s30 =	simm.s32 @!p1 $0x80;
	s28 =	sxor.u32 @!p1 $0x2000, s28  }
0x8d: {  	[sflag:s21] =	ssyncadd.s32 $0xFFFFE000;
	s29 =	sand.u32 @!p1 $0x3FFFFF80, s29;
	s28 =	sadd.s32 @!p1 $0x2800, s28  }
0x8e: {  	[tilespmem:s28], [sflag:$0x1] =	stream.indirect.gather @!p1 [hbm4b:s4+s30], $0x40, s29, s30, $0xb8;
	[tilespmem:$0x1E800] =	vst v63  }
0x8f: {  	s28 =	simm.s32 $0x1  }
0x90: {  	s28 =	simm.s32 @!p0 $0x0  }
0x91: {  	s28 =	sshll.u32 s28, $0xD  }
0x92: {  	s28 =	sadd.s32 $0x2800, s28  }
0x93: {  	p2 =	seq.s32 @!p1 s25, $0x0;
	v1 =	vmov s28  }
0x94: {  	p1 =	por p1, !p2  }
0x95: {  	_ =	swait.ge @p1 [sflag:s22], $0x4000  }
0x96: {  	[sflag:s22] =	ssyncset.done @p1 $0x0  }
0x97: {  	s29 =	simm.s32 $0x0;
	[sflag:s22] =	ssyncadd.s32 @p1 $0xFFFFC000  }
0x98: {  	v2 =	vld.idx.msk [tilespmem:v1+s29+$0x0 ss:$0x1], $0xffff;
	_ =	sdelay $0x4  }
0x99: {  	s28 =	simm.s32 $0x6840;
	v3 =	vshll.u32 v2, $0x10  }
0x9a: {  	v2 =	vand.u32 $0xFFFF0000, v2;
	[tilespmem:s28+$0xFFFFFFC0] =	vst v3  }
0x9b: {  	[tilespmem:s28+$0xFFFFFFD0] =	vst v2  }
0x9c: {  	v2 =	vld.idx.msk [tilespmem:v1+s29+$0x10 ss:$0x1], $0xffff;
	_ =	sdelay $0x4  }
0x9d: {  	v3 =	vshll.u32 v2, $0x10  }
0x9e: {  	v2 =	vand.u32 $0xFFFF0000, v2;
	[tilespmem:s28+$0xFFFFFFE0] =	vst v3  }
0x9f: {  	[tilespmem:s28+$0xFFFFFFF0] =	vst v2  }
0xa0: {  	v2 =	vld.idx.msk [tilespmem:v1+s29+$0x20 ss:$0x1], $0xffff;
	_ =	sdelay $0x4  }
0xa1: {  	v3 =	vand.u32 $0xFFFF0000, v2  }
0xa2: {  	v2 =	vshll.u32 v2, $0x10;
	[tilespmem:s28+$0x10] =	vst v3  }
0xa3: {  	[tilespmem:s28+$0x0] =	vst v2  }
0xa4: {  	v2 =	vld.idx.msk [tilespmem:v1+s29+$0x30 ss:$0x1], $0xffff;
	_ =	sdelay $0x4  }
0xa5: {  	v3 =	vshll.u32 v2, $0x10  }
0xa6: {  	v2 =	vand.u32 $0xFFFF0000, v2;
	[tilespmem:s28+$0x20] =	vst v3  }
0xa7: {  	s29 =	simm.s32 $0x40;
	[tilespmem:s28+$0x30] =	vst v2  }
0xa8: {  	s30 =	simm.s32 $0x200;
	v2 =	vld.idx.msk [tilespmem:v1+s29+$0x0 ss:$0x1], $0xffff  }
.LBB2_9:
0xa9: {  	p1 =	sne.s32 s30, $0x7F00;
	_ =	sdelay $0x3  }
0xaa: {  	s28 =	sadd.s32 $0x80, s28;
	v3 =	vshll.u32 v2, $0x10  }
0xab: {  	v2 =	vand.u32 $0xFFFF0000, v2;
	[tilespmem:s28+$0xFFFFFFC0] =	vst v3  }
0xac: {  	[tilespmem:s28+$0xFFFFFFD0] =	vst v2  }
0xad: {  	v2 =	vld.idx.msk [tilespmem:v1+s29+$0x10 ss:$0x1], $0xffff;
	_ =	sdelay $0x5  }
0xae: {  	v3 =	vshll.u32 v2, $0x10  }
0xaf: {  	v2 =	vand.u32 $0xFFFF0000, v2;
	[tilespmem:s28+$0xFFFFFFE0] =	vst v3  }
0xb0: {  	[tilespmem:s28+$0xFFFFFFF0] =	vst v2  }
0xb1: {  	v2 =	vld.idx.msk [tilespmem:v1+s29+$0x20 ss:$0x1], $0xffff;
	_ =	sdelay $0x5  }
0xb2: {  	v3 =	vshll.u32 v2, $0x10;
	v2 =	vand.u32 $0xFFFF0000, v2  }
0xb3: {  	[tilespmem:s28+$0x10] =	vst v2  }
0xb4: {  	[tilespmem:s28+$0x0] =	vst v3  }
0xb5: {  	v2 =	vld.idx.msk [tilespmem:v1+s29+$0x30 ss:$0x1], $0xffff;
	_ =	sdelay $0x5  }
.Ltmp3:
0xb6: {  	v3 =	vshll.u32 v2, $0x10;
	v2 =	vand.u32 $0xFFFF0000, v2;
	(pc) =	sbr.rel @p1 .LBB2_9-.Ltmp3, $4  }
0xb7: {  	[tilespmem:s28+$0x20] =	vst v3  }
0xb8: {  	s29 =	sshra.s32 s30, $0x2;
	[tilespmem:s28+$0x30] =	vst v2  }
0xb9: {  	v2 =	vld.idx.msk [tilespmem:v1+s29+$0x0 ss:$0x1], $0xffff  }
0xba: {  	s30 =	sadd.s32 $0x100, s30  }
0xbb: {  	_ =	sdelay $0x2  }
0xbc: {  	s28 =	sadd.s32 $0x80, s28;
	v3 =	vshll.u32 v2, $0x10  }
0xbd: {  	v2 =	vand.u32 $0xFFFF0000, v2;
	[tilespmem:s28+$0xFFFFFFC0] =	vst v3  }
0xbe: {  	[tilespmem:s28+$0xFFFFFFD0] =	vst v2  }
0xbf: {  	v2 =	vld.idx.msk [tilespmem:v1+s29+$0x10 ss:$0x1], $0xffff;
	_ =	sdelay $0x4  }
0xc0: {  	v3 =	vshll.u32 v2, $0x10  }
0xc1: {  	v2 =	vand.u32 $0xFFFF0000, v2;
	[tilespmem:s28+$0xFFFFFFE0] =	vst v3  }
0xc2: {  	[tilespmem:s28+$0xFFFFFFF0] =	vst v2  }
0xc3: {  	v2 =	vld.idx.msk [tilespmem:v1+s29+$0x20 ss:$0x1], $0xffff;
	_ =	sdelay $0x4  }
0xc4: {  	v3 =	vand.u32 $0xFFFF0000, v2  }
0xc5: {  	v2 =	vshll.u32 v2, $0x10;
	[tilespmem:s28+$0x10] =	vst v3  }
0xc6: {  	[tilespmem:s28+$0x0] =	vst v2  }
0xc7: {  	v1 =	vld.idx.msk [tilespmem:v1+s29+$0x30 ss:$0x1], $0xffff;
	_ =	sdelay $0x3  }
0xc8: {  	p1 =	sne.s32 s26, $0x28  }
.Ltmp4:
0xc9: {  	s25 =	sshll.u32 s25, $0x7;
	v2 =	vshll.u32 v1, $0x10;
	(pc) =	sbr.rel @p1 .LBB2_8-.Ltmp4, $4  }
0xca: {  	s25 =	sand.u32 $0x3FFFFF80, s25;
	v1 =	vand.u32 $0xFFFF0000, v1;
	[tilespmem:s28+$0x20] =	vst v2  }
0xcb: {  	s25 =	sadd.s32 $0x1400, s25;
	[tilespmem:s28+$0x30] =	vst v1  }
0xcc: {  	[spmem:s2] =	stream.indirect.scatter.add.f32 [tilespmem:s16], [sflag:$0x2], $0x80, s25, s19, $0xb8;
	[tilespmem:$0x1E800] =	vst v63  }
0xcd: {  	p0 =	por !p0, !p0;
	s25 =	smov.u32 s26  }
0xce: {  	_ =	swait.ge [sflag:s22], $0x4000  }
0xcf: {  	s24 =	sadd.s32 $0x1, s24;
	[sflag:s22] =	ssyncset.done $0x0  }
0xd0: {  	s25 =	sshll.u32 s0, $0x6;
	p0 =	sne.s32 s24, s11;
	[sflag:s22] =	ssyncadd.s32 $0xFFFFC000  }
.Ltmp5:
0xd1: {  	s25 =	sor.u32 $0x1C03, s25;
	[bflag:$0x0] =	sbarrier.arrive $0xFFFF;
	(pc) =	sbr.rel @p0 .LBB2_1-.Ltmp5, $4  }
0xd2: {  	[hbm:s10], [sflag:s25] =	dma.local [spmem:s23], $0x2800  }
0xd3: {  	_ =	swait.ge [sflag:s17], $0x2800  }
0xd4: {  	[sflag:s17] =	ssyncset.done $0x0  }
0xd5: {  	[sflag:s17] =	ssyncadd.s32 $0xFFFFD800  }
0xd6: {  	_ =	sfence.sel $0x180000  }
0xd7: {  	[bflag:$0x0] =	sbarrier.arrive $0xFFFF  }
0xd8: {  	p0 =	sne.s32 s0, $0x0;
	_ =	strace $0x9000004A  }
0xd9: {  	s0 =	sadd.s32 @!p0 $0x100000, s1;
	[bflag:$0x2] =	sbarrier.arrive $0xFFFF  }
0xda: {  	[sflag:s0] =	ssyncadd.tile.s32 @!p0 $0x1;
	_ =	shalt  }
.Lfunc_end2:
_tile_overlayer_lowered:
.L_overlay_start_2:
0xdb: {  	(tag) =	ssettag $0x2  }
0xdc: {  	s0 =	rddreg [dreg:$0x0];
	s2 =	stileid.u32  }
0xdd: {  	s1 =	rddreg [dreg:$0x1];
	p0 =	sne.s32 s2, $0x0  }
0xde: {  	s3 =	rddreg [dreg:$0x2];
	[bflag:$0x3] =	sbarrier.arrive $0xFFFF;
	s2 =	simm.s32 @!p0 $0x1C03  }
0xdf: {  	[timem:s3], [sflag:s2] =	dma.local @!p0 [hbm:s0], s1  }
0xe0: {  	s0 =	simm.s32 @!p0 $0x3  }
0xe1: {  	_ =	swait.ge @!p0 [sflag:s0], s1  }
0xe2: {  	s1 =	ssub.s32 @!p0 $0x0, s1;
	[sflag:s0] =	ssyncset.done @!p0 $0x0  }
0xe3: {  	[sflag:s0] =	ssyncadd.s32 @!p0 s1  }
0xe4: {  	[bflag:$0x3] =	sbarrier.arrive $0xFFFF  }
0xe5: {  	_ =	shalt  }

// kernel: kernel.14.cloned.1.call-start
scs
__scs_entry_jumppad:
0x0: {  	(pc) =	sbr.rel $0x88, $3  }
0x1: {  	(tag) =	ssettag $0x0;
	lr =	simm.s32 $0x1  }
0x2: {  	[smem:$0x3F9B] =	sst lr;
	_ =	strace $0xD0000000  }
0x3: {  	_ = 	snop  }
0x4: {  	_ = 	snop  }
0x5: {  	_ = 	snop  }
0x6: {  	_ = 	snop  }
0x7: {  	_ = 	snop  }
__scs_overlays_trampoline_lowered:
0x8: {  	[smem:$0x3FAA] =	sst s0  }
0x9: {  	[smem:$0x3FAB] =	sst s1  }
0xa: {  	[smem:$0x3FAC] =	sst s2  }
0xb: {  	[smem:$0x3FAD] =	sst s3  }
0xc: {  	[smem:$0x3FAE] =	sst s4  }
0xd: {  	[smem:$0x3FAF] =	sst s5  }
0xe: {  	[smem:$0x3FB0] =	sst s6  }
0xf: {  	[smem:$0x3FB1] =	sst s7  }
0x10: {  	[smem:$0x3FB2] =	sst s8  }
0x11: {  	[smem:$0x3FB3] =	sst s9;
	s0 =	simm.s32 @!p0 $0x0  }
0x12: {  	s1 =	sld [smem:$0x3F99];
	s0 =	simm.s32 @p0 $0x1  }
0x13: {  	[smem:$0x3FB4] =	sst s0;
	s0 =	simm.s32 @!p1 $0x0  }
0x14: {  	s2 =	sld [smem:$0x3F98];
	s0 =	simm.s32 @p1 $0x1  }
0x15: {  	[smem:$0x3FB5] =	sst s0;
	s0 =	simm.s32 @!p2 $0x0  }
0x16: {  	s3 =	sld [smem:$0x3FDB];
	s0 =	simm.s32 @p2 $0x1  }
0x17: {  	s4 =	simm.s32 $0x1BF5;
	[smem:$0x3FB7] =	sst s0  }
0x18: {  	s0 =	sld [smem:$0x3F9A];
	_ =	swait.ge [sflag:s4], $0x0  }
0x19: {  	s7 =	sld [smem:$0x3F9B]  }
0x1a: {  	s8 =	sadd.s32 $0xFFFFE003, lr  }
0x1b: {  	s9 =	sadd.s32 $0xFFFFFEF7, lr;
	s5 =	simm.s32 $0xFFFFFFFF;
	p2 =	slt.u32 s8, $0xFFFFF086  }
0x1c: {  	p1 =	slt.u32 s9, $0xF7A;
	s5 =	simm.s32 @!p2 $0x0  }
0x1d: {  	s5 =	simm.s32 @p1 $0x1;
	p0 =	seq.s32 s7, s2  }
0x1e: {  	s7 =	smul.u32 @!p0 $0xF7A, s2;
	p2 =	seq.s32 @!p0 s5, $0x0  }
0x1f: {  	s9 =	smul.u32 $0xF7A, s1;
	s8 =	simm.s32 @!p0 $0x1BF5;
	p2 =	por !p2, p0  }
0x20: {  	[sflag:s8] =	ssyncset.s32 @!p0 $0xFFFFF086;
	s6 =	sadd.s32 @!p0 s3, s7;
	s7 =	simm.s32 @!p0 $0x108  }
0x21: {  	s3 =	sadd.s32 s3, s9;
	s6 =	sadd.s32 @!p0 $0x88, s6;
	s7 =	simm.s32 @p2 $0x1082  }
0x22: {  	[simem:s7], [sflag:s8] =	dma.local @!p0 [hbm:s6], $0xF7A  }
0x23: {  	s9 =	sor.u32 $0xD0000000, s2;
	s6 =	simm.s32 $0x108;
	_ =	swait.ge @!p0 [sflag:s8], $0x0  }
0x24: {  	s3 =	sadd.s32 $0x88, s3;
	s6 =	simm.s32 @!p1 $0x1082;
	[sflag:s4] =	ssyncset.s32 $0xFFFFF086  }
0x25: {  	[simem:s6], [sflag:s4] =	dma.local [hbm:s3], $0xF7A  }
0x26: {  	[smem:$0x3F9B] =	sst s1;
	(tag) =	ssettag s2;
	_ =	strace s9  }
0x27: {  	s1 =	sld [smem:$0x3FAB]  }
0x28: {  	s2 =	sld [smem:$0x3FAC]  }
0x29: {  	s4 =	sld [smem:$0x3FAE]  }
0x2a: {  	p0 =	seq.s32 s5, $0x0;
	s5 =	sld [smem:$0x3FAF]  }
0x2b: {  	s6 =	sld [smem:$0x3FB0]  }
0x2c: {  	s7 =	sld [smem:$0x3FB1]  }
0x2d: {  	s3 =	simm.s32 $0x108;
	s8 =	sld [smem:$0x3FB2]  }
0x2e: {  	s3 =	simm.s32 @!p0 $0x1082;
	s9 =	sld [smem:$0x3FB3]  }
0x2f: {  	lr =	sadd.s32 s0, s3;
	s0 =	sld [smem:$0x3FAA]  }
0x30: {  	s3 =	sld [smem:$0x3FAD]  }
0x31: {  	[smem:$0x3FB6] =	sst s10  }
0x32: {  	s10 =	sld [smem:$0x3FB4];
	_ =	sdelay $0x3  }
0x33: {  	p0 =	seq.s32 s10, $0x1;
	s10 =	sld [smem:$0x3FB6];
	_ =	sdelay $0x3  }
0x34: {  	[smem:$0x3FB6] =	sst s10  }
0x35: {  	s10 =	sld [smem:$0x3FB5];
	_ =	sdelay $0x3  }
0x36: {  	p1 =	seq.s32 s10, $0x1;
	s10 =	sld [smem:$0x3FB6];
	_ =	sdelay $0x3  }
0x37: {  	[smem:$0x3FB6] =	sst s10  }
0x38: {  	s10 =	sld [smem:$0x3FB7]  }
0x39: {  	_ = 	snop;
	(pc) =	sbr.ind lr, $3  }
0x3a: {  	_ = 	snop  }
0x3b: {  	_ = 	snop  }
0x3c: {  	p2 =	seq.s32 s10, $0x1;
	s10 =	sld [smem:$0x3FB6]  }
0x3d: {  	_ =	shalt  }
0x3e: {  	_ =	shalt  }
0x3f: {  	_ =	shalt  }
0x40: {  	_ =	shalt  }
0x41: {  	_ =	shalt  }
0x42: {  	_ =	shalt  }
0x43: {  	_ =	shalt  }
0x44: {  	_ =	shalt  }
0x45: {  	_ =	shalt  }
0x46: {  	_ =	shalt  }
0x47: {  	_ =	shalt  }
0x48: {  	_ =	shalt  }
0x49: {  	_ =	shalt  }
0x4a: {  	_ =	shalt  }
0x4b: {  	_ =	shalt  }
0x4c: {  	_ =	shalt  }
0x4d: {  	_ =	shalt  }
0x4e: {  	_ =	shalt  }
0x4f: {  	_ =	shalt  }
0x50: {  	_ =	shalt  }
0x51: {  	_ =	shalt  }
0x52: {  	_ =	shalt  }
0x53: {  	_ =	shalt  }
0x54: {  	_ =	shalt  }
0x55: {  	_ =	shalt  }
0x56: {  	_ =	shalt  }
0x57: {  	_ =	shalt  }
0x58: {  	_ =	shalt  }
0x59: {  	_ =	shalt  }
0x5a: {  	_ =	shalt  }
0x5b: {  	_ =	shalt  }
0x5c: {  	_ =	shalt  }
0x5d: {  	_ =	shalt  }
0x5e: {  	_ =	shalt  }
0x5f: {  	_ =	shalt  }
0x60: {  	_ =	shalt  }
0x61: {  	_ =	shalt  }
0x62: {  	_ =	shalt  }
0x63: {  	_ =	shalt  }
0x64: {  	_ =	shalt  }
0x65: {  	_ =	shalt  }
0x66: {  	_ =	shalt  }
0x67: {  	_ =	shalt  }
0x68: {  	_ =	shalt  }
0x69: {  	_ =	shalt  }
0x6a: {  	_ =	shalt  }
0x6b: {  	_ =	shalt  }
0x6c: {  	_ =	shalt  }
0x6d: {  	_ =	shalt  }
0x6e: {  	_ =	shalt  }
0x6f: {  	_ =	shalt  }
0x70: {  	_ =	shalt  }
0x71: {  	_ =	shalt  }
0x72: {  	_ =	shalt  }
0x73: {  	_ =	shalt  }
0x74: {  	_ =	shalt  }
0x75: {  	_ =	shalt  }
0x76: {  	_ =	shalt  }
0x77: {  	_ =	shalt  }
0x78: {  	_ =	shalt  }
0x79: {  	_ =	shalt  }
0x7a: {  	_ =	shalt  }
0x7b: {  	_ =	shalt  }
0x7c: {  	_ =	shalt  }
0x7d: {  	_ =	shalt  }
0x7e: {  	_ =	shalt  }
0x7f: {  	_ =	shalt  }
0x80: {  	_ =	shalt  }
0x81: {  	_ =	shalt  }
0x82: {  	_ =	shalt  }
0x83: {  	_ =	shalt  }
0x84: {  	_ =	shalt  }
0x85: {  	_ =	shalt  }
0x86: {  	_ =	shalt  }
0x87: {  	_ =	shalt  }
.Lfunc_end0:
.L_simem_size_0:
called_computation.2_lowered:
.L_overlay_start_0:
0x88: {  	s2 =	sld [smem:$0x3FD9]  }
0x89: {  	s3 =	sld [smem:$0x3FFE];
	_ =	sdelay $0x1  }
0x8a: {  	s1 =	srdreg.scid  }
0x8b: {  	s0 =	sand.u32 $0x1, s1  }
0x8c: {  	s17 =	sshll.u32 s0, $0xA;
	s2 =	sadd.s32 s3, s2  }
0x8d: {  	s2 =	sadd.s32 s2, s17  }
0x8e: {  	[smem:$0x3FC2] =	sst s2  }
0x8f: {  	_ = 	snop  }
0x90: {  	s2 =	sld [smem:$0x3FD0];
	(tm) =	ssettm $0x1  }
0x91: {  	s18 =	sld [smem:$0x3FFB];
	_ =	sdelay $0x3  }
0x92: {  	_ =	strace s18  }
0x93: {  	s3 =	sld [smem:$0x3FFC];
	_ =	sdelay $0x3  }
0x94: {  	_ =	strace s3  }
0x95: {  	s3 =	sld [smem:$0x3FFD];
	_ =	sdelay $0x3  }
0x96: {  	_ =	strace s3  }
0x97: {  	_ =	strace $0x8FFFFFFF  }
0x98: {  	s19 =	sld [smem:$0x3FDB];
	_ =	sdelay $0x1  }
0x99: {  	s4 =	simm.s32 $_scs_section_size  }
0x9a: {  	s5 =	simm.s32 $_size__tile_overlayer_lowered;
	s6 =	simm.s32 $_tile_overlayer_lowered  }
0x9b: {  	s22 =	simm.s32 $0x1BFF;
	s21 =	sshll.u32 s6, $0x1;
	s3 =	sadd.s32 s4, s19  }
0x9c: {  	s7 =	simm.s32 $0x0;
	s20 =	sshll.u32 s5, $0x1;
	s5 =	sadd.s32 s21, s3  }
0x9d: {  	[timem:s7], [sflag:s22] =	dma.local [hbm:s5], s20  }
0x9e: {  	_ =	swait.ge [sflag:s22], s20  }
0x9f: {  	s4 =	ssub.s32 $0x0, s20;
	[sflag:s22] =	ssyncset.done $0x0  }
0xa0: {  	[sflag:s22] =	ssyncadd.s32 s4;
	_ =	sdelay $0x1  }
0xa1: {  	s23 =	simm.s32 $0x1B8B  }
0xa2: {  	_ =	swait.ge [sflag:s23], $0x1  }
0xa3: {  	[sflag:s23] =	ssyncset.done $0x0  }
0xa4: {  	s25 =	simm.s32 $0x1B8E;
	s24 =	sld [smem:$0x3FFE];
	[sflag:s23] =	ssyncadd.s32 $0xFFFFFFFF  }
0xa5: {  	s26 =	simm.s32 $execute0_lowered;
	[smem:$0x3FD2] =	sst s25  }
0xa6: {  	s5 =	sshll.u32 s26, $0x1;
	_ =	strace $0x8000004C;
	[dreg:$0x1] =	wrdreg $0xFFFFFFFF  }
0xa7: {  	s28 =	simm.s32 $_size_execute0_lowered;
	s3 =	sadd.s32 s3, s5;
	[dreg:$0x0] =	wrdreg $0x0  }
0xa8: {  	s5 =	sshll.u32 s28, $0x1;
	[dreg:$0x2] =	wrdreg s3  }
0xa9: {  	[dreg:$0x3] =	wrdreg s5  }
0xaa: {  	[dreg:$0x4] =	wrdreg $0xC0  }
0xab: {  	_ =	task [dreg:s7], $0x5FFFF  }
0xac: {  	[dreg:$0x1] =	wrdreg $0xFFFFFFFF  }
0xad: {  	[dreg:$0x0] =	wrdreg $0x60  }
0xae: {  	[dreg:$0x2] =	wrdreg s2  }
0xaf: {  	[dreg:$0x3] =	wrdreg s24  }
0xb0: {  	[dreg:$0x4] =	wrdreg $0x7F100  }
0xb1: {  	[dreg:$0x5] =	wrdreg $0x58000  }
0xb2: {  	[dreg:$0x6] =	wrdreg $0x9  }
0xb3: {  	_ =	task.clear_ibuf [dreg:s7], $0x7FFFF;
	_ =	strace $0x9000004C  }
0xb4: {  	s29 =	simm.s32 $0x9;
	_ =	strace $0x8000004E  }
0xb5: {  	_ =	swait.ge [sflag:s29], $0x1  }
0xb6: {  	[sflag:s29] =	ssyncadd.s32 $0xFFFFFFFF  }
0xb7: {  	_ =	strace $0x9000004E  }
0xb8: {  	_ =	sfence  }
0xb9: {  	s30 =	sld [smem:$0x0];
	_ =	sdelay $0x2  }
0xba: {  	s31 =	sshll.u32 s1, $0xD;
	s1 =	sshrl.u32 s1, $0x2  }
0xbb: {  	s3 =	sand.u32 $0x4000, s31;
	s1 =	sadd.s32 s1, s30  }
0xbc: {  	s0 =	sor.u32 s3, s0;
	s1 =	sshll.u32 s1, $0x11  }
0xbd: {  	s0 =	sor.u32 s1, s0  }
0xbe: {  	s0 =	sadd.s32 $0x8F2B, s0  }
0xbf: {  	[sflag:s0] =	ssyncadd.remote.s32 $0x1  }
0xc0: {  	_ =	sfence.sel $0xFFFF  }
0xc1: {  	[dreg:$0x0] =	wrdreg $0xFFFFFFFF;
	(pc) =	sbr.abs _section_cstart, $3  }
0xc2: {  	[dreg:$0x1] =	wrdreg $0xFFFFFFFF  }
0xc3: {  	_ =	task.clear_ibuf [dreg:s7], $0x2FFFF;
	_ =	strace $0x9FFFFFFF  }
0xc4: {  	(tm) =	ssettm $0x7FFFFFFF  }
0xc5: {  	_ =	shalt  }
tec
execute0_lowered:
.L_overlay_start_1:
0x0: {  	(tag) =	ssettag $0x1  }
0x1: {  	s6 =	rddreg [dreg:$0x0]  }
0x2: {  	s7 =	rddreg [dreg:$0x1]  }
0x3: {  	s2 =	rddreg [dreg:$0x2]  }
0x4: {  	s0 =	srdreg.scid;
	s3 =	rddreg [dreg:$0x3];
	s4 =	simm.s32 $0x0  }
0x5: {  	s15 =	simm.s32 $0x5000;
	s16 =	simm.s32 $0x1;
	s5 =	sand.u32 $0x1, s0  }
0x6: {  	s19 =	simm.s32 $0x2800;
	s0 =	stileid.u32;
	s9 =	smul.u32 $0x28000, s5  }
0x7: {  	s20 =	simm.s32 $0x80;
	[smem:$0x7FF] =	sst s4;
	s10 =	smul.u32 $0x2800, s0  }
0x8: {  	s1 =	sshll.u32 s5, $0x4;
	s5 =	ssub.s32 $0x2, s5;
	s11 =	smul.u32 $0xA000, s0  }
0x9: {  	s13 =	smul.u32 $0x2710, s0;
	s17 =	sshll.u32 s0, $0x6;
	s1 =	sor.u32 s0, s1  }
0xa: {  	s12 =	sshrl.u32 s5, $0x1;
	s17 =	sor.u32 $0x1C01, s17;
	s8 =	smul.u32 $0x2800, s1  }
0xb: {  	s1 =	rddreg [dreg:$0x4];
	_ =	strace $0x8000004D;
	s9 =	sadd.s32 s10, s9  }
0xc: {  	s12 =	ssub.s32 s5, s12;
	s30 =	sshrl.u32 s11, $0x2;
	s18 =	sadd.s32 s13, s3  }
0xd: {  	s31 =	sshrl.u32 s13, $0x3;
	s21 =	sadd.s32 s10, s2;
	s9 =	sshrl.u32 s9, $0x3  }
0xe: {  	s5 =	sadd.s32 s30, s2;
	s6 =	sadd.s32 s6, s31;
	s10 =	smax.u32 s12, $0x1  }
0xf: {  	s18 =	sshrl.u32 s18, $0x3;
	s21 =	sshrl.u32 s21, $0x3;
	s8 =	sshrl.u32 s8, $0x3  }
0x10: {  	s9 =	sadd.s32 s9, s7;
	s11 =	sadd.s32 $0x800, s5;
	s12 =	sadd.s32 $0x1000, s5  }
0x11: {  	s13 =	sadd.s32 $0x1800, s5;
	s14 =	sadd.s32 $0x2000, s5;
	s8 =	sadd.s32 s8, s7  }
0x12: {  	v0 =	vimm.f32 $0.0e+00;
	s9 =	sadd.s32 $0x1600, s9;
	s7 =	sadd.s32 $0x15600, s8;
	s8 =	sadd.s32 $0x1F600, s8  }
.LBB2_1:
0x13: {  	s22 =	simm.s32 $0x40;
	s23 =	simm.s32 $0x0  }
.LBB2_2:
0x14: {  	p0 =	sne.s32 s22, $0x1FC0;
	[tilespmem:s23+$0x5000] =	vst v0;
	s23 =	smov.u32 s22;
	s22 =	sadd.s32 $0x40, s22  }
.Ltmp0:
0x15: {  	(pc) =	sbr.rel @p0 .LBB2_2-.Ltmp0, $2  }
0x16: {  	_ =	sdelay $0x2  }
0x17: {  	s23 =	sshra.s32 s23, $0x2  }
0x18: {  	[tilespmem:s23+$0x5000] =	vst v0  }
0x19: {  	[spmem:s5] =	stream.linear.scatter [tilespmem:s15], [sflag:$0x1], $0x800, $0x38;
	[tilespmem:$0xA710] =	vst v63  }
0x1a: {  	_ =	swait.ge [sflag:s16], $0x800  }
0x1b: {  	[sflag:s16] =	ssyncset.done $0x0  }
0x1c: {  	[sflag:s16] =	ssyncadd.s32 $0xFFFFF800  }
0x1d: {  	[spmem:s11] =	stream.linear.scatter [tilespmem:s15], [sflag:$0x1], $0x800, $0x38;
	[tilespmem:$0xA710] =	vst v63  }
0x1e: {  	_ =	swait.ge [sflag:s16], $0x800  }
0x1f: {  	[sflag:s16] =	ssyncset.done $0x0  }
0x20: {  	[sflag:s16] =	ssyncadd.s32 $0xFFFFF800  }
0x21: {  	[spmem:s12] =	stream.linear.scatter [tilespmem:s15], [sflag:$0x1], $0x800, $0x38;
	[tilespmem:$0xA710] =	vst v63  }
0x22: {  	_ =	swait.ge [sflag:s16], $0x800  }
0x23: {  	[sflag:s16] =	ssyncset.done $0x0  }
0x24: {  	[sflag:s16] =	ssyncadd.s32 $0xFFFFF800  }
0x25: {  	[spmem:s13] =	stream.linear.scatter [tilespmem:s15], [sflag:$0x1], $0x800, $0x38;
	[tilespmem:$0xA710] =	vst v63  }
0x26: {  	_ =	swait.ge [sflag:s16], $0x800  }
0x27: {  	[sflag:s16] =	ssyncset.done $0x0  }
0x28: {  	[sflag:s16] =	ssyncadd.s32 $0xFFFFF800  }
0x29: {  	[spmem:s14] =	stream.linear.scatter [tilespmem:s15], [sflag:$0x1], $0x800, $0x38;
	[tilespmem:$0xA710] =	vst v63  }
0x2a: {  	_ =	swait.ge [sflag:s16], $0x800  }
0x2b: {  	[sflag:s16] =	ssyncset.done $0x0  }
0x2c: {  	[sflag:s16] =	ssyncadd.s32 $0xFFFFF800  }
0x2d: {  	[spmem:s18], [sflag:s17] =	dma.local [hbm:s6], $0x4E2  }
0x2e: {  	_ =	swait.ge [sflag:s16], $0x4E2  }
0x2f: {  	[sflag:s16] =	ssyncset.done $0x0  }
0x30: {  	s22 =	simm.s32 $0x0;
	[sflag:s16] =	ssyncadd.s32 $0xFFFFFB1E  }
0x31: {  	[tilespmem:s22], [sflag:$0x1] =	stream.linear.gather [hbm4b:s7+s22], $0x2800, $0x38;
	[tilespmem:$0xA710] =	vst v63  }
0x32: {  	_ =	swait.ge [sflag:s16], $0x2800  }
0x33: {  	[sflag:s16] =	ssyncset.done $0x0  }
0x34: {  	[sflag:s16] =	ssyncadd.s32 $0xFFFFD800  }
0x35: {  	[tilespmem:s19], [sflag:$0x1] =	stream.linear.gather [hbm4b:s8+s22], $0x2800, $0x38;
	[tilespmem:$0xA710] =	vst v63  }
0x36: {  	_ =	swait.ge [sflag:s16], $0x2800  }
0x37: {  	[sflag:s16] =	ssyncset.done $0x0  }
0x38: {  	[sflag:s16] =	ssyncadd.s32 $0xFFFFD800  }
0x39: {  	s30 =	simm.s32 $0x0;
	[bflag:$0x0] =	sbarrier.arrive $0xFFFF  }
0x3a: {  	[tilespmem:s15], [sflag:$0x1] =	stream.indirect.gather [spmem:s3], $0x10, s30, s20, $0xb8;
	[tilespmem:$0xA710] =	vst v63  }
0x3b: {  	_ =	swait.ge [sflag:s16], $0x800  }
0x3c: {  	[sflag:s16] =	ssyncset.done $0x0  }
0x3d: {  	s31 =	simm.s32 $0x2800;
	[sflag:s16] =	ssyncadd.s32 $0xFFFFF800  }
0x3e: {  	[spmem:s2] =	stream.indirect.scatter.add.f32 [tilespmem:s15], [sflag:$0x1], $0x10, s31, s20, $0xb8;
	[tilespmem:$0xA710] =	vst v63  }
0x3f: {  	_ =	swait.ge [sflag:s16], $0x800  }
0x40: {  	s23 =	simm.s32 $0x400;
	s22 =	simm.s32 $0x200;
	[sflag:s16] =	ssyncset.done $0x0  }
.LBB2_4:
0x41: {  	s24 =	sshra.s32 s22, $0x2  }
0x42: {  	[sflag:s16] =	ssyncadd.s32 $0xFFFFF800;
	s22 =	smov.u32 s23;
	s25 =	sadd.s32 $0x200, s23  }
0x43: {  	[tilespmem:s15], [sflag:$0x1] =	stream.indirect.gather [spmem:s3], $0x10, s24, s20, $0xb8;
	[tilespmem:$0xA710] =	vst v63  }
0x44: {  	p0 =	sne.s32 s23, $0x9E00;
	_ =	swait.ge [sflag:s16], $0x800  }
.Ltmp1:
0x45: {  	[sflag:s16] =	ssyncset.done $0x0;
	(pc) =	sbr.rel @p0 .LBB2_4-.Ltmp1, $4  }
0x46: {  	s23 =	sadd.s32 $0x2800, s24;
	[sflag:s16] =	ssyncadd.s32 $0xFFFFF800  }
0x47: {  	[spmem:s2] =	stream.indirect.scatter.add.f32 [tilespmem:s15], [sflag:$0x1], $0x10, s23, s20, $0xb8;
	[tilespmem:$0xA710] =	vst v63  }
0x48: {  	_ =	swait.ge [sflag:s16], $0x800  }
0x49: {  	s23 =	smov.u32 s25;
	[sflag:s16] =	ssyncset.done $0x0  }
0x4a: {  	s22 =	sshra.s32 s22, $0x2;
	[sflag:s16] =	ssyncadd.s32 $0xFFFFF800  }
0x4b: {  	[tilespmem:s15], [sflag:$0x1] =	stream.indirect.gather [spmem:s3], $0x10, s22, s20, $0xb8;
	[tilespmem:$0xA710] =	vst v63  }
0x4c: {  	_ =	swait.ge [sflag:s16], $0x800  }
0x4d: {  	[sflag:s16] =	ssyncset.done $0x0  }
0x4e: {  	s22 =	sadd.s32 $0x2800, s22;
	[sflag:s16] =	ssyncadd.s32 $0xFFFFF800  }
0x4f: {  	[spmem:s2] =	stream.indirect.scatter.add.f32 [tilespmem:s15], [sflag:$0x1], $0x10, s22, s20, $0xb8;
	[tilespmem:$0xA710] =	vst v63  }
0x50: {  	_ =	swait.ge [sflag:s16], $0x800  }
0x51: {  	s4 =	sadd.s32 $0x1, s4;
	[sflag:s16] =	ssyncset.done $0x0  }
0x52: {  	p0 =	sne.s32 s4, s10;
	[sflag:s16] =	ssyncadd.s32 $0xFFFFF800  }
.Ltmp2:
0x53: {  	[bflag:$0x0] =	sbarrier.arrive $0xFFFF;
	(pc) =	sbr.rel @p0 .LBB2_1-.Ltmp2, $4  }
0x54: {  	[hbm:s9], [sflag:s17] =	dma.local [spmem:s21], $0x500  }
0x55: {  	_ =	swait.ge [sflag:s16], $0x500  }
0x56: {  	[sflag:s16] =	ssyncset.done $0x0  }
0x57: {  	[sflag:s16] =	ssyncadd.s32 $0xFFFFFB00  }
0x58: {  	_ =	sfence.sel $0x180000  }
0x59: {  	[bflag:$0x0] =	sbarrier.arrive $0xFFFF  }
0x5a: {  	p0 =	sne.s32 s0, $0x0;
	_ =	strace $0x9000004D  }
0x5b: {  	s0 =	sadd.s32 @!p0 $0x100000, s1;
	[bflag:$0x2] =	sbarrier.arrive $0xFFFF  }
0x5c: {  	[sflag:s0] =	ssyncadd.tile.s32 @!p0 $0x1;
	_ =	shalt  }
.Lfunc_end2:
_tile_overlayer_lowered:
.L_overlay_start_2:
0x5d: {  	(tag) =	ssettag $0x2  }
0x5e: {  	s0 =	rddreg [dreg:$0x0];
	s2 =	stileid.u32  }
0x5f: {  	s1 =	rddreg [dreg:$0x1];
	p0 =	sne.s32 s2, $0x0  }
0x60: {  	s3 =	rddreg [dreg:$0x2];
	[bflag:$0x3] =	sbarrier.arrive $0xFFFF;
	s2 =	simm.s32 @!p0 $0x1C01  }
0x61: {  	[timem:s3], [sflag:s2] =	dma.local @!p0 [hbm:s0], s1  }
0x62: {  	s0 =	simm.s32 @!p0 $0x1  }
0x63: {  	_ =	swait.ge @!p0 [sflag:s0], s1  }
0x64: {  	s1 =	ssub.s32 @!p0 $0x0, s1;
	[sflag:s0] =	ssyncset.done @!p0 $0x0  }
0x65: {  	[sflag:s0] =	ssyncadd.s32 @!p0 s1  }
0x66: {  	[bflag:$0x3] =	sbarrier.arrive $0xFFFF  }
0x67: {  	_ =	shalt  }

// kernel: kernel.8.cloned.1.call-start
scs
__scs_entry_jumppad:
0x0: {  	(pc) =	sbr.rel $0x88, $3  }
0x1: {  	(tag) =	ssettag $0x0;
	lr =	simm.s32 $0x1  }
0x2: {  	[smem:$0x3F9B] =	sst lr;
	_ =	strace $0xD0000000  }
0x3: {  	_ = 	snop  }
0x4: {  	_ = 	snop  }
0x5: {  	_ = 	snop  }
0x6: {  	_ = 	snop  }
0x7: {  	_ = 	snop  }
__scs_overlays_trampoline_lowered:
0x8: {  	[smem:$0x3FAA] =	sst s0  }
0x9: {  	[smem:$0x3FAB] =	sst s1  }
0xa: {  	[smem:$0x3FAC] =	sst s2  }
0xb: {  	[smem:$0x3FAD] =	sst s3  }
0xc: {  	[smem:$0x3FAE] =	sst s4  }
0xd: {  	[smem:$0x3FAF] =	sst s5  }
0xe: {  	[smem:$0x3FB0] =	sst s6  }
0xf: {  	[smem:$0x3FB1] =	sst s7  }
0x10: {  	[smem:$0x3FB2] =	sst s8  }
0x11: {  	[smem:$0x3FB3] =	sst s9;
	s0 =	simm.s32 @!p0 $0x0  }
0x12: {  	s1 =	sld [smem:$0x3F99];
	s0 =	simm.s32 @p0 $0x1  }
0x13: {  	[smem:$0x3FB4] =	sst s0;
	s0 =	simm.s32 @!p1 $0x0  }
0x14: {  	s2 =	sld [smem:$0x3F98];
	s0 =	simm.s32 @p1 $0x1  }
0x15: {  	[smem:$0x3FB5] =	sst s0;
	s0 =	simm.s32 @!p2 $0x0  }
0x16: {  	s3 =	sld [smem:$0x3FDB];
	s0 =	simm.s32 @p2 $0x1  }
0x17: {  	s4 =	simm.s32 $0x1BF5;
	[smem:$0x3FB7] =	sst s0  }
0x18: {  	s0 =	sld [smem:$0x3F9A];
	_ =	swait.ge [sflag:s4], $0x0  }
0x19: {  	s7 =	sld [smem:$0x3F9B]  }
0x1a: {  	s8 =	sadd.s32 $0xFFFFE003, lr  }
0x1b: {  	s9 =	sadd.s32 $0xFFFFFEF7, lr;
	s5 =	simm.s32 $0xFFFFFFFF;
	p2 =	slt.u32 s8, $0xFFFFF086  }
0x1c: {  	p1 =	slt.u32 s9, $0xF7A;
	s5 =	simm.s32 @!p2 $0x0  }
0x1d: {  	s5 =	simm.s32 @p1 $0x1;
	p0 =	seq.s32 s7, s2  }
0x1e: {  	s7 =	smul.u32 @!p0 $0xF7A, s2;
	p2 =	seq.s32 @!p0 s5, $0x0  }
0x1f: {  	s9 =	smul.u32 $0xF7A, s1;
	s8 =	simm.s32 @!p0 $0x1BF5;
	p2 =	por !p2, p0  }
0x20: {  	[sflag:s8] =	ssyncset.s32 @!p0 $0xFFFFF086;
	s6 =	sadd.s32 @!p0 s3, s7;
	s7 =	simm.s32 @!p0 $0x108  }
0x21: {  	s3 =	sadd.s32 s3, s9;
	s6 =	sadd.s32 @!p0 $0x88, s6;
	s7 =	simm.s32 @p2 $0x1082  }
0x22: {  	[simem:s7], [sflag:s8] =	dma.local @!p0 [hbm:s6], $0xF7A  }
0x23: {  	s9 =	sor.u32 $0xD0000000, s2;
	s6 =	simm.s32 $0x108;
	_ =	swait.ge @!p0 [sflag:s8], $0x0  }
0x24: {  	s3 =	sadd.s32 $0x88, s3;
	s6 =	simm.s32 @!p1 $0x1082;
	[sflag:s4] =	ssyncset.s32 $0xFFFFF086  }
0x25: {  	[simem:s6], [sflag:s4] =	dma.local [hbm:s3], $0xF7A  }
0x26: {  	[smem:$0x3F9B] =	sst s1;
	(tag) =	ssettag s2;
	_ =	strace s9  }
0x27: {  	s1 =	sld [smem:$0x3FAB]  }
0x28: {  	s2 =	sld [smem:$0x3FAC]  }
0x29: {  	s4 =	sld [smem:$0x3FAE]  }
0x2a: {  	p0 =	seq.s32 s5, $0x0;
	s5 =	sld [smem:$0x3FAF]  }
0x2b: {  	s6 =	sld [smem:$0x3FB0]  }
0x2c: {  	s7 =	sld [smem:$0x3FB1]  }
0x2d: {  	s3 =	simm.s32 $0x108;
	s8 =	sld [smem:$0x3FB2]  }
0x2e: {  	s3 =	simm.s32 @!p0 $0x1082;
	s9 =	sld [smem:$0x3FB3]  }
0x2f: {  	lr =	sadd.s32 s0, s3;
	s0 =	sld [smem:$0x3FAA]  }
0x30: {  	s3 =	sld [smem:$0x3FAD]  }
0x31: {  	[smem:$0x3FB6] =	sst s10  }
0x32: {  	s10 =	sld [smem:$0x3FB4];
	_ =	sdelay $0x3  }
0x33: {  	p0 =	seq.s32 s10, $0x1;
	s10 =	sld [smem:$0x3FB6];
	_ =	sdelay $0x3  }
0x34: {  	[smem:$0x3FB6] =	sst s10  }
0x35: {  	s10 =	sld [smem:$0x3FB5];
	_ =	sdelay $0x3  }
0x36: {  	p1 =	seq.s32 s10, $0x1;
	s10 =	sld [smem:$0x3FB6];
	_ =	sdelay $0x3  }
0x37: {  	[smem:$0x3FB6] =	sst s10  }
0x38: {  	s10 =	sld [smem:$0x3FB7]  }
0x39: {  	_ = 	snop;
	(pc) =	sbr.ind lr, $3  }
0x3a: {  	_ = 	snop  }
0x3b: {  	_ = 	snop  }
0x3c: {  	p2 =	seq.s32 s10, $0x1;
	s10 =	sld [smem:$0x3FB6]  }
0x3d: {  	_ =	shalt  }
0x3e: {  	_ =	shalt  }
0x3f: {  	_ =	shalt  }
0x40: {  	_ =	shalt  }
0x41: {  	_ =	shalt  }
0x42: {  	_ =	shalt  }
0x43: {  	_ =	shalt  }
0x44: {  	_ =	shalt  }
0x45: {  	_ =	shalt  }
0x46: {  	_ =	shalt  }
0x47: {  	_ =	shalt  }
0x48: {  	_ =	shalt  }
0x49: {  	_ =	shalt  }
0x4a: {  	_ =	shalt  }
0x4b: {  	_ =	shalt  }
0x4c: {  	_ =	shalt  }
0x4d: {  	_ =	shalt  }
0x4e: {  	_ =	shalt  }
0x4f: {  	_ =	shalt  }
0x50: {  	_ =	shalt  }
0x51: {  	_ =	shalt  }
0x52: {  	_ =	shalt  }
0x53: {  	_ =	shalt  }
0x54: {  	_ =	shalt  }
0x55: {  	_ =	shalt  }
0x56: {  	_ =	shalt  }
0x57: {  	_ =	shalt  }
0x58: {  	_ =	shalt  }
0x59: {  	_ =	shalt  }
0x5a: {  	_ =	shalt  }
0x5b: {  	_ =	shalt  }
0x5c: {  	_ =	shalt  }
0x5d: {  	_ =	shalt  }
0x5e: {  	_ =	shalt  }
0x5f: {  	_ =	shalt  }
0x60: {  	_ =	shalt  }
0x61: {  	_ =	shalt  }
0x62: {  	_ =	shalt  }
0x63: {  	_ =	shalt  }
0x64: {  	_ =	shalt  }
0x65: {  	_ =	shalt  }
0x66: {  	_ =	shalt  }
0x67: {  	_ =	shalt  }
0x68: {  	_ =	shalt  }
0x69: {  	_ =	shalt  }
0x6a: {  	_ =	shalt  }
0x6b: {  	_ =	shalt  }
0x6c: {  	_ =	shalt  }
0x6d: {  	_ =	shalt  }
0x6e: {  	_ =	shalt  }
0x6f: {  	_ =	shalt  }
0x70: {  	_ =	shalt  }
0x71: {  	_ =	shalt  }
0x72: {  	_ =	shalt  }
0x73: {  	_ =	shalt  }
0x74: {  	_ =	shalt  }
0x75: {  	_ =	shalt  }
0x76: {  	_ =	shalt  }
0x77: {  	_ =	shalt  }
0x78: {  	_ =	shalt  }
0x79: {  	_ =	shalt  }
0x7a: {  	_ =	shalt  }
0x7b: {  	_ =	shalt  }
0x7c: {  	_ =	shalt  }
0x7d: {  	_ =	shalt  }
0x7e: {  	_ =	shalt  }
0x7f: {  	_ =	shalt  }
0x80: {  	_ =	shalt  }
0x81: {  	_ =	shalt  }
0x82: {  	_ =	shalt  }
0x83: {  	_ =	shalt  }
0x84: {  	_ =	shalt  }
0x85: {  	_ =	shalt  }
0x86: {  	_ =	shalt  }
0x87: {  	_ =	shalt  }
.Lfunc_end0:
.L_simem_size_0:
called_computation_lowered:
.L_overlay_start_0:
0x88: {  	s2 =	sld [smem:$0x3FD9]  }
0x89: {  	s3 =	sld [smem:$0x3FFE];
	_ =	sdelay $0x1  }
0x8a: {  	s1 =	srdreg.scid  }
0x8b: {  	s0 =	sand.u32 $0x1, s1  }
0x8c: {  	s17 =	sshll.u32 s0, $0xA;
	s2 =	sadd.s32 s3, s2  }
0x8d: {  	s2 =	sadd.s32 s2, s17  }
0x8e: {  	[smem:$0x3FC2] =	sst s2  }
0x8f: {  	_ = 	snop  }
0x90: {  	s2 =	sld [smem:$0x3FD0];
	(tm) =	ssettm $0x1  }
0x91: {  	s18 =	sld [smem:$0x3FFB];
	_ =	sdelay $0x3  }
0x92: {  	_ =	strace s18  }
0x93: {  	s3 =	sld [smem:$0x3FFC];
	_ =	sdelay $0x3  }
0x94: {  	_ =	strace s3  }
0x95: {  	s3 =	sld [smem:$0x3FFD];
	_ =	sdelay $0x3  }
0x96: {  	_ =	strace s3  }
0x97: {  	_ =	strace $0x8FFFFFFF  }
0x98: {  	s19 =	sld [smem:$0x3FDB];
	_ =	sdelay $0x1  }
0x99: {  	s4 =	simm.s32 $_scs_section_size  }
0x9a: {  	s5 =	simm.s32 $_size__tile_overlayer_lowered;
	s6 =	simm.s32 $_tile_overlayer_lowered  }
0x9b: {  	s22 =	simm.s32 $0x1BFF;
	s21 =	sshll.u32 s6, $0x1;
	s3 =	sadd.s32 s4, s19  }
0x9c: {  	s7 =	simm.s32 $0x0;
	s20 =	sshll.u32 s5, $0x1;
	s5 =	sadd.s32 s21, s3  }
0x9d: {  	[timem:s7], [sflag:s22] =	dma.local [hbm:s5], s20  }
0x9e: {  	_ =	swait.ge [sflag:s22], s20  }
0x9f: {  	s4 =	ssub.s32 $0x0, s20;
	[sflag:s22] =	ssyncset.done $0x0  }
0xa0: {  	[sflag:s22] =	ssyncadd.s32 s4;
	_ =	sdelay $0x1  }
0xa1: {  	s23 =	simm.s32 $0x1B8B  }
0xa2: {  	_ =	swait.ge [sflag:s23], $0x1  }
0xa3: {  	[sflag:s23] =	ssyncset.done $0x0  }
0xa4: {  	s25 =	simm.s32 $0x1B8E;
	s24 =	sld [smem:$0x3FFE];
	[sflag:s23] =	ssyncadd.s32 $0xFFFFFFFF  }
0xa5: {  	s26 =	simm.s32 $execute0_lowered;
	[smem:$0x3FD2] =	sst s25  }
0xa6: {  	s5 =	sshll.u32 s26, $0x1;
	_ =	strace $0x80000046;
	[dreg:$0x1] =	wrdreg $0xFFFFFFFF  }
0xa7: {  	s28 =	simm.s32 $_size_execute0_lowered;
	s3 =	sadd.s32 s3, s5;
	[dreg:$0x0] =	wrdreg $0x0  }
0xa8: {  	s5 =	sshll.u32 s28, $0x1;
	[dreg:$0x2] =	wrdreg s3  }
0xa9: {  	[dreg:$0x3] =	wrdreg s5  }
0xaa: {  	[dreg:$0x4] =	wrdreg $0xC0  }
0xab: {  	_ =	task [dreg:s7], $0x5FFFF  }
0xac: {  	[dreg:$0x1] =	wrdreg $0xFFFFFFFF  }
0xad: {  	[dreg:$0x0] =	wrdreg $0x60  }
0xae: {  	[dreg:$0x2] =	wrdreg s24  }
0xaf: {  	[dreg:$0x3] =	wrdreg s2  }
0xb0: {  	[dreg:$0x4] =	wrdreg $0x53000  }
0xb1: {  	[dreg:$0x5] =	wrdreg $0x55800  }
0xb2: {  	[dreg:$0x6] =	wrdreg $0x9  }
0xb3: {  	_ =	task.clear_ibuf [dreg:s7], $0x7FFFF;
	_ =	strace $0x90000046  }
0xb4: {  	s29 =	simm.s32 $0x9;
	_ =	strace $0x80000048  }
0xb5: {  	_ =	swait.ge [sflag:s29], $0x1  }
0xb6: {  	[sflag:s29] =	ssyncadd.s32 $0xFFFFFFFF  }
0xb7: {  	_ =	strace $0x90000048  }
0xb8: {  	_ =	sfence  }
0xb9: {  	s30 =	sld [smem:$0x0];
	_ =	sdelay $0x2  }
0xba: {  	s31 =	sshll.u32 s1, $0xD;
	s1 =	sshrl.u32 s1, $0x2  }
0xbb: {  	s3 =	sand.u32 $0x4000, s31;
	s1 =	sadd.s32 s1, s30  }
0xbc: {  	s0 =	sor.u32 s3, s0;
	s1 =	sshll.u32 s1, $0x11  }
0xbd: {  	s0 =	sor.u32 s1, s0  }
0xbe: {  	s0 =	sadd.s32 $0x8F2B, s0  }
0xbf: {  	[sflag:s0] =	ssyncadd.remote.s32 $0x1  }
0xc0: {  	_ =	sfence.sel $0xFFFF  }
0xc1: {  	[dreg:$0x0] =	wrdreg $0xFFFFFFFF;
	(pc) =	sbr.abs _section_cstart, $3  }
0xc2: {  	[dreg:$0x1] =	wrdreg $0xFFFFFFFF  }
0xc3: {  	_ =	task.clear_ibuf [dreg:s7], $0x2FFFF;
	_ =	strace $0x9FFFFFFF  }
0xc4: {  	(tm) =	ssettm $0x7FFFFFFF  }
0xc5: {  	_ =	shalt  }
tec
execute0_lowered:
.L_overlay_start_1:
0x0: {  	(tag) =	ssettag $0x1  }
0x1: {  	s5 =	rddreg [dreg:$0x0]  }
0x2: {  	s8 =	rddreg [dreg:$0x1]  }
0x3: {  	s0 =	srdreg.scid;
	s2 =	rddreg [dreg:$0x2]  }
0x4: {  	s3 =	rddreg [dreg:$0x3];
	s4 =	simm.s32 $0x0;
	s14 =	simm.s32 $0x2800  }
0x5: {  	s15 =	simm.s32 $0x80;
	s16 =	simm.s32 $0x5000;
	s19 =	simm.s32 $0x20  }
0x6: {  	s20 =	simm.s32 $0x10;
	s6 =	sand.u32 $0x1, s0;
	s0 =	stileid.u32  }
0x7: {  	s22 =	simm.s32 $0x0;
	[smem:$0x7FF] =	sst s4;
	s9 =	smul.u32 $0x5000, s6  }
0x8: {  	s1 =	sshll.u32 s6, $0x4;
	s10 =	smul.u32 $0x500, s0;
	s6 =	ssub.s32 $0x2, s6  }
0x9: {  	s11 =	smul.u32 $0x280, s0;
	s17 =	sshll.u32 s0, $0x6;
	s7 =	sor.u32 s0, s1  }
0xa: {  	s1 =	rddreg [dreg:$0x4];
	_ =	strace $0x80000047;
	s30 =	sshrl.u32 s6, $0x1  }
0xb: {  	s17 =	sor.u32 $0x1C01, s17;
	s7 =	smul.u32 $0x2800, s7;
	s31 =	sadd.s32 s10, s9  }
0xc: {  	s13 =	ssub.s32 s6, s30;
	s6 =	sadd.s32 s11, s3;
	s9 =	sshrl.u32 s31, $0x3  }
0xd: {  	s21 =	sshrl.u32 s6, $0x3;
	s7 =	sshrl.u32 s7, $0x3;
	s8 =	sadd.s32 s8, s9  }
0xe: {  	s12 =	sadd.s32 s7, s5;
	s5 =	sadd.s32 s11, s2;
	s10 =	sadd.s32 $0x10, s8  }
0xf: {  	s11 =	smax.u32 s13, $0x1;
	s13 =	simm.s32 $0x1;
	s7 =	sadd.s32 $0x1600, s12  }
0x10: {  	v0 =	vimm.f32 $1.000000000e+00;
	v1 =	vimm.f32 $0.0e+00;
	s9 =	sadd.s32 $0xB600, s12;
	s12 =	simm.s32 $0x5080;
	s18 =	sshrl.u32 s5, $0x3  }
.LBB2_1:
0x11: {  	[tilespmem:$0x5000] =	vst v0  }
0x12: {  	[tilespmem:$0x5010] =	vst v0  }
0x13: {  	[tilespmem:$0x5020] =	vst v0  }
0x14: {  	[tilespmem:$0x5030] =	vst v0  }
0x15: {  	[tilespmem:$0x5040] =	vst v0  }
0x16: {  	[tilespmem:$0x5050] =	vst v0  }
0x17: {  	[tilespmem:$0x5060] =	vst v0  }
0x18: {  	[tilespmem:$0x5070] =	vst v0  }
0x19: {  	[tilespmem:$0x5080] =	vst v1  }
0x1a: {  	[tilespmem:$0x5090] =	vst v1  }
0x1b: {  	[tilespmem:$0x50A0] =	vst v1  }
0x1c: {  	[tilespmem:$0x50B0] =	vst v1  }
0x1d: {  	[tilespmem:$0x50C0] =	vst v1  }
0x1e: {  	[tilespmem:$0x50D0] =	vst v1  }
0x1f: {  	[tilespmem:$0x50E0] =	vst v1  }
0x20: {  	[tilespmem:$0x50F0] =	vst v1  }
0x21: {  	[tilespmem:$0x5100] =	vst v1  }
0x22: {  	[tilespmem:$0x5110] =	vst v1  }
0x23: {  	[tilespmem:$0x5120] =	vst v1  }
0x24: {  	[tilespmem:$0x5130] =	vst v1  }
0x25: {  	[tilespmem:$0x5140] =	vst v1  }
0x26: {  	[tilespmem:$0x5150] =	vst v1  }
0x27: {  	[tilespmem:$0x5160] =	vst v1  }
0x28: {  	[tilespmem:$0x5170] =	vst v1  }
0x29: {  	[tilespmem:$0x5180] =	vst v1  }
0x2a: {  	[tilespmem:$0x5190] =	vst v1  }
0x2b: {  	[tilespmem:$0x51A0] =	vst v1  }
0x2c: {  	[tilespmem:$0x51B0] =	vst v1  }
0x2d: {  	[tilespmem:$0x51C0] =	vst v1  }
0x2e: {  	[tilespmem:$0x51D0] =	vst v1  }
0x2f: {  	[tilespmem:$0x51E0] =	vst v1  }
0x30: {  	[tilespmem:$0x51F0] =	vst v1  }
0x31: {  	[tilespmem:$0x5200] =	vst v1  }
0x32: {  	[tilespmem:$0x5210] =	vst v1  }
0x33: {  	[tilespmem:$0x5220] =	vst v1  }
0x34: {  	[tilespmem:$0x5230] =	vst v1  }
0x35: {  	[tilespmem:$0x5240] =	vst v1  }
0x36: {  	[tilespmem:$0x5250] =	vst v1  }
0x37: {  	[tilespmem:$0x5260] =	vst v1  }
0x38: {  	[tilespmem:$0x5270] =	vst v1  }
0x39: {  	[tilespmem:$0x5280] =	vst v1  }
0x3a: {  	[tilespmem:$0x5290] =	vst v1  }
0x3b: {  	[tilespmem:$0x52A0] =	vst v1  }
0x3c: {  	[tilespmem:$0x52B0] =	vst v1  }
0x3d: {  	[tilespmem:$0x52C0] =	vst v1  }
0x3e: {  	[tilespmem:$0x52D0] =	vst v1  }
0x3f: {  	[tilespmem:$0x52E0] =	vst v1  }
0x40: {  	[tilespmem:$0x52F0] =	vst v1  }
0x41: {  	[spmem:s5] =	stream.linear.scatter [tilespmem:s12], [sflag:$0x1], $0x280, $0x38;
	[tilespmem:$0x5800] =	vst v63  }
0x42: {  	_ =	swait.ge [sflag:s13], $0x280  }
0x43: {  	[sflag:s13] =	ssyncset.done $0x0  }
0x44: {  	[sflag:s13] =	ssyncadd.s32 $0xFFFFFD80  }
0x45: {  	[spmem:s6] =	stream.linear.scatter [tilespmem:s12], [sflag:$0x1], $0x280, $0x38;
	[tilespmem:$0x5800] =	vst v63  }
0x46: {  	_ =	swait.ge [sflag:s13], $0x280  }
0x47: {  	[sflag:s13] =	ssyncset.done $0x0  }
0x48: {  	[sflag:s13] =	ssyncadd.s32 $0xFFFFFD80  }
0x49: {  	[tilespmem:s4], [sflag:$0x1] =	stream.linear.gather [hbm4b:s7+s4], $0x2800, $0x38;
	[tilespmem:$0x5800] =	vst v63  }
0x4a: {  	_ =	swait.ge [sflag:s13], $0x2800  }
0x4b: {  	[sflag:s13] =	ssyncset.done $0x0  }
0x4c: {  	[sflag:s13] =	ssyncadd.s32 $0xFFFFD800  }
0x4d: {  	[tilespmem:s14], [sflag:$0x1] =	stream.linear.gather [hbm4b:s9+s4], $0x2800, $0x38;
	[tilespmem:$0x5800] =	vst v63  }
0x4e: {  	_ =	swait.ge [sflag:s13], $0x2800  }
0x4f: {  	[sflag:s13] =	ssyncset.done $0x0  }
0x50: {  	[sflag:s13] =	ssyncadd.s32 $0xFFFFD800  }
0x51: {  	s23 =	simm.s32 $0x0;
	[bflag:$0x0] =	sbarrier.arrive $0xFFFF  }
0x52: {  	[spmem:s2] =	stream.indirect.scatter.add.f32 [tilespmem:s16], [sflag:$0x1], $0x1, s23, s15, $0xb8;
	[tilespmem:$0x5800] =	vst v63  }
0x53: {  	_ =	swait.ge [sflag:s13], $0x80  }
0x54: {  	[sflag:s13] =	ssyncset.done $0x0  }
0x55: {  	s31 =	simm.s32 $0x2800;
	[sflag:s13] =	ssyncadd.s32 $0xFFFFFF80  }
0x56: {  	[spmem:s3] =	stream.indirect.scatter.add.f32 [tilespmem:s16], [sflag:$0x1], $0x1, s31, s15, $0xb8;
	[tilespmem:$0x5800] =	vst v63  }
0x57: {  	_ =	swait.ge [sflag:s13], $0x80  }
0x58: {  	s24 =	simm.s32 $0x400;
	s23 =	simm.s32 $0x200;
	[sflag:s13] =	ssyncset.done $0x0  }
.LBB2_2:
0x59: {  	s25 =	sshra.s32 s23, $0x2  }
0x5a: {  	[sflag:s13] =	ssyncadd.s32 $0xFFFFFF80;
	s23 =	smov.u32 s24;
	s26 =	sadd.s32 $0x200, s24  }
0x5b: {  	[spmem:s2] =	stream.indirect.scatter.add.f32 [tilespmem:s16], [sflag:$0x1], $0x1, s25, s15, $0xb8;
	[tilespmem:$0x5800] =	vst v63  }
0x5c: {  	p0 =	sne.s32 s24, $0x9E00;
	_ =	swait.ge [sflag:s13], $0x80  }
.Ltmp0:
0x5d: {  	[sflag:s13] =	ssyncset.done $0x0;
	(pc) =	sbr.rel @p0 .LBB2_2-.Ltmp0, $4  }
0x5e: {  	s24 =	sadd.s32 $0x2800, s25;
	[sflag:s13] =	ssyncadd.s32 $0xFFFFFF80  }
0x5f: {  	[spmem:s3] =	stream.indirect.scatter.add.f32 [tilespmem:s16], [sflag:$0x1], $0x1, s24, s15, $0xb8;
	[tilespmem:$0x5800] =	vst v63  }
0x60: {  	_ =	swait.ge [sflag:s13], $0x80  }
0x61: {  	s24 =	smov.u32 s26;
	[sflag:s13] =	ssyncset.done $0x0  }
0x62: {  	s23 =	sshra.s32 s23, $0x2;
	[sflag:s13] =	ssyncadd.s32 $0xFFFFFF80  }
0x63: {  	[spmem:s2] =	stream.indirect.scatter.add.f32 [tilespmem:s16], [sflag:$0x1], $0x1, s23, s15, $0xb8;
	[tilespmem:$0x5800] =	vst v63  }
0x64: {  	_ =	swait.ge [sflag:s13], $0x80  }
0x65: {  	[sflag:s13] =	ssyncset.done $0x0  }
0x66: {  	s23 =	sadd.s32 $0x2800, s23;
	[sflag:s13] =	ssyncadd.s32 $0xFFFFFF80  }
0x67: {  	[spmem:s3] =	stream.indirect.scatter.add.f32 [tilespmem:s16], [sflag:$0x1], $0x1, s23, s15, $0xb8;
	[tilespmem:$0x5800] =	vst v63  }
0x68: {  	_ =	swait.ge [sflag:s13], $0x80  }
0x69: {  	[sflag:s13] =	ssyncset.done $0x0  }
0x6a: {  	[sflag:s13] =	ssyncadd.s32 $0xFFFFFF80  }
0x6b: {  	[bflag:$0x0] =	sbarrier.arrive $0xFFFF  }
0x6c: {  	[hbm:s8@s19], [sflag:s17] =	dma.strided [spmem:s18@s20], $0x50, s13, $0x10   }
0x6d: {  	s22 =	sadd.s32 $0x1, s22;
	_ =	swait.ge [sflag:s13], $0x50  }
0x6e: {  	p0 =	sne.s32 s22, s11;
	[sflag:s13] =	ssyncset.done $0x0  }
.Ltmp1:
0x6f: {  	[sflag:s13] =	ssyncadd.s32 $0xFFFFFFB0;
	(pc) =	sbr.rel @p0 .LBB2_1-.Ltmp1, $4  }
0x70: {  	[hbm:s10@s19], [sflag:s17] =	dma.strided [spmem:s21@s20], $0x50, s13, $0x10   }
0x71: {  	_ =	swait.ge [sflag:s13], $0x50  }
0x72: {  	[sflag:s13] =	ssyncset.done $0x0  }
0x73: {  	[sflag:s13] =	ssyncadd.s32 $0xFFFFFFB0  }
0x74: {  	_ =	sfence.sel $0x180000  }
0x75: {  	[bflag:$0x0] =	sbarrier.arrive $0xFFFF  }
0x76: {  	p0 =	sne.s32 s0, $0x0;
	_ =	strace $0x90000047  }
0x77: {  	s0 =	sadd.s32 @!p0 $0x100000, s1;
	[bflag:$0x2] =	sbarrier.arrive $0xFFFF  }
0x78: {  	[sflag:s0] =	ssyncadd.tile.s32 @!p0 $0x1;
	_ =	shalt  }
.Lfunc_end2:
_tile_overlayer_lowered:
.L_overlay_start_2:
0x79: {  	(tag) =	ssettag $0x2  }
0x7a: {  	s0 =	rddreg [dreg:$0x0];
	s2 =	stileid.u32  }
0x7b: {  	s1 =	rddreg [dreg:$0x1];
	p0 =	sne.s32 s2, $0x0  }
0x7c: {  	s3 =	rddreg [dreg:$0x2];
	[bflag:$0x3] =	sbarrier.arrive $0xFFFF;
	s2 =	simm.s32 @!p0 $0x1C01  }
0x7d: {  	[timem:s3], [sflag:s2] =	dma.local @!p0 [hbm:s0], s1  }
0x7e: {  	s0 =	simm.s32 @!p0 $0x1  }
0x7f: {  	_ =	swait.ge @!p0 [sflag:s0], s1  }
0x80: {  	s1 =	ssub.s32 @!p0 $0x0, s1;
	[sflag:s0] =	ssyncset.done @!p0 $0x0  }
0x81: {  	[sflag:s0] =	ssyncadd.s32 @!p0 s1  }
0x82: {  	[bflag:$0x3] =	sbarrier.arrive $0xFFFF  }
0x83: {  	_ =	shalt  }

</sc_bundles>
